<compile_context>
chip_gen: v7x
topology: tpu7x:2x2x1
jax: 0.10.2.dev20260603
libtpu: 0.0.44.dev20260713+nightly
codegen_flags: <defaults>
</compile_context>

<pallas_src>
import jax
import jax.numpy as jnp
from jax import lax
from jax.experimental import pallas as pl
from jax.experimental.pallas import tpu as pltpu
from jax.experimental.pallas import tpu_sc as plsc

B = 8
T_PAD = 128
FEAT = 128
T0 = 1024
NB = T0 + T_PAD
DEG = 32
E_PER = NB * DEG
E_TOT = B * E_PER
L = 16
NC = 2
NS = 16
EW = E_TOT // (NC * NS)
ROWS = B * T_PAD
ROWS_PER_CORE = ROWS // NC
ROWS_PER_SUB = ROWS_PER_CORE // NS
ZN = ROWS_PER_SUB * NB
A_CORE = ROWS_PER_CORE * NB
N_IDX_ROWS = EW // 128
N_CT = NB // FEAT
TILES_PER_B = (T_PAD // 8) * N_CT


def _sc_scatter_body(adj_hbm, a_hbm, a_spmem, iv, jv, idx2, ones_v, zbuf,
                     sem, zsem):
    cid = lax.axis_index("c")
    sid = lax.axis_index("s")
    w = cid * NS + sid

    base = w * EW
    d_i = pltpu.async_copy(adj_hbm.at[pl.ds(1, 1), pl.ds(base, EW)], iv, sem)
    d_j = pltpu.async_copy(adj_hbm.at[pl.ds(2, 1), pl.ds(base, EW)], jv, sem)

    def zero_body(k, _):
        for u in range(8):
            zbuf[pl.ds((k * 8 + u) * L, L)] = jnp.zeros((L,), jnp.float32)
        return 0
    lax.fori_loop(0, ZN // (8 * L), zero_body, 0)

    def ones_body(k, _):
        for u in range(8):
            ones_v[pl.ds((k * 8 + u) * L, L)] = jnp.ones((L,), jnp.float32)
        return 0
    lax.fori_loop(0, EW // (8 * L), ones_body, 0)

    d_z = pltpu.async_copy(zbuf, a_spmem.at[pl.ds(sid * ZN, ZN)], zsem)

    d_i.wait()
    d_j.wait()

    b_rows = (w // 4 - cid * (B // NC)) * (T_PAD * N_CT)

    def idx_body(c, _):
        for u in range(8):
            v = c * 8 + u
            i16 = iv[0, pl.ds(v * L, L)]
            j16 = jv[0, pl.ds(v * L, L)]
            off = (((j16 & -128) + (i16 & 127) + b_rows) << 7) + (j16 & 127)
            idx2[pl.ds(v * L, L)] = jnp.where(i16 >= T0, off, -1)
        return 0
    lax.fori_loop(0, N_IDX_ROWS, idx_body, 0)

    d_z.wait()
    plsc.subcore_barrier()

    pltpu.sync_copy(ones_v, a_spmem.at[plsc.Indices(idx2, ignored_value=-1)])

    plsc.subcore_barrier()

    out_base = (cid * ROWS_PER_CORE + sid * ROWS_PER_SUB) * NB
    pltpu.sync_copy(a_spmem.at[pl.ds(sid * ZN, ZN)],
                    a_hbm.at[pl.ds(out_base, ZN)])


def _sc_build_adj(adj_indices):
    run = pl.kernel(
        _sc_scatter_body,
        out_type=jax.ShapeDtypeStruct((ROWS * NB,), jnp.float32),
        mesh=plsc.VectorSubcoreMesh(core_axis_name="c", subcore_axis_name="s"),
        scratch_types=[
            pltpu.VMEM_SHARED((A_CORE,), jnp.float32),
            pltpu.VMEM((1, EW), jnp.int32),
            pltpu.VMEM((1, EW), jnp.int32),
            pltpu.VMEM((EW,), jnp.int32),
            pltpu.VMEM((EW,), jnp.float32),
            pltpu.VMEM((ZN,), jnp.float32),
            pltpu.SemaphoreType.DMA,
            pltpu.SemaphoreType.DMA,
        ],
    )
    return run(adj_indices)


def _tc_mx_body(a_ref, n_ref, x_ref, ws_ref, wf_ref, b_ref, mx_ref):
    a3 = a_ref[...]
    nn = n_ref[0]
    xx = x_ref[0]
    msg = jnp.dot(a3[8 * 16:].reshape(T_PAD, FEAT), xx,
                  preferred_element_type=jnp.float32)
    for tc in range(8):
        blk = a3[tc * 16:(tc + 1) * 16].reshape(T_PAD, FEAT)
        msg = msg + jnp.dot(blk.astype(jnp.bfloat16),
                            nn[tc * FEAT:(tc + 1) * FEAT],
                            preferred_element_type=jnp.float32)
    mx_ref[0] = jnp.tanh(
        jnp.dot(msg, ws_ref[...], preferred_element_type=jnp.float32)
        + jnp.dot(xx, wf_ref[...], preferred_element_type=jnp.float32)
        + b_ref[...])


def _tc_mx(a3, nodes, x, w_src, w_self, bias2):
    return pl.pallas_call(
        _tc_mx_body,
        grid=(B,),
        in_specs=[
            pl.BlockSpec((TILES_PER_B, 8, FEAT), lambda b: (b, 0, 0)),
            pl.BlockSpec((1, T0, FEAT), lambda b: (b, 0, 0)),
            pl.BlockSpec((1, T_PAD, FEAT), lambda b: (b, 0, 0)),
            pl.BlockSpec((FEAT, FEAT), lambda b: (0, 0)),
            pl.BlockSpec((FEAT, FEAT), lambda b: (0, 0)),
            pl.BlockSpec((1, FEAT), lambda b: (0, 0)),
        ],
        out_specs=pl.BlockSpec((1, T_PAD, FEAT), lambda b: (b, 0, 0)),
        out_shape=jax.ShapeDtypeStruct((B, T_PAD, FEAT), jnp.float32),
        compiler_params=pltpu.CompilerParams(
            dimension_semantics=("arbitrary",),
        ),
    )(a3, nodes, x, w_src, w_self, bias2)


def _tc_nodes_body(n_ref, x_ref, no_ref, nlo_ref):
    no_ref[0] = n_ref[0]
    no_ref[0, T0:NB] = x_ref[0]
    nlo_ref[0] = n_ref[0, :T0].astype(jnp.bfloat16)


def _tc_nodes(nodes, x):
    gs = nodes.shape[1]
    return pl.pallas_call(
        _tc_nodes_body,
        grid=(B,),
        in_specs=[
            pl.BlockSpec((1, gs, FEAT), lambda b: (b, 0, 0)),
            pl.BlockSpec((1, T_PAD, FEAT), lambda b: (b, 0, 0)),
        ],
        out_specs=[
            pl.BlockSpec((1, gs, FEAT), lambda b: (b, 0, 0)),
            pl.BlockSpec((1, T0, FEAT), lambda b: (b, 0, 0)),
        ],
        out_shape=[
            jax.ShapeDtypeStruct(nodes.shape, jnp.float32),
            jax.ShapeDtypeStruct((B, T0, FEAT), jnp.bfloat16),
        ],
        compiler_params=pltpu.CompilerParams(
            dimension_semantics=("arbitrary",),
        ),
    )(nodes, x)


def kernel(x, taus, nodes, adj_indices, adj_values, T, W_src, W_self, bias):
    a_flat = _sc_build_adj(adj_indices)
    a3 = a_flat.reshape(B * TILES_PER_B, 8, FEAT)
    nodes_out, nodes_lo = _tc_nodes(nodes, x)
    mx = _tc_mx(a3, nodes_lo, x, W_src, W_self, bias.reshape(1, FEAT))
    return mx, nodes_out, T + taus

# --- scband reference (transcript-rebuilt; emitter-appended) ---
"""Pipeline reference for scband-sparse-gcm-90855738179709 (READ-ONLY COPY).

The authoritative reference and input builder live on the scoring server;
editing this copy changes nothing except your own understanding.
"""

import jax, jax.numpy as jnp
import numpy as np

B = 8
T_PAD = 128       # taus (uniform per batch)
FEAT = 128
GRAPH_SIZE = 2048 # max graph size N
T0 = 1024         # timesteps already in graph
NB = T0 + T_PAD   # active nodes per batch after insertion = 1152
DEG = 32
E_PER = NB * DEG
E_TOT = B * E_PER


def _index_pipeline(adj_indices):
    # --- adj.coalesce(): sum duplicate (b, row, col) entries ---
    NN = GRAPH_SIZE * GRAPH_SIZE
    key = adj_indices[0] * NN + adj_indices[1] * GRAPH_SIZE + adj_indices[2]
    n_keys = key.shape[0]
    uk, inv = jnp.unique(key, return_inverse=True, size=n_keys, fill_value=-1)
    n1 = n_keys
    valid1 = uk >= 0
    bb = uk // NN
    rr = (uk % NN) // GRAPH_SIZE
    cc = uk % GRAPH_SIZE
    # --- util.flatten_adj: offset per-batch node ids (uniform T + taus) ---
    row = rr + bb * NB
    col = cc + bb * NB
    # --- torch.flip(edges, (0,)): edges become [col, row]; col < row (causality) ---
    src = col
    dst = row
    # --- torch_geometric.utils.coalesce(edges, weights, reduce='mean') ---
    nnodes = B * NB
    ekey = jnp.where(valid1, src * nnodes + dst, -1)
    ek, einv = jnp.unique(ekey, return_inverse=True, size=n_keys, fill_value=-1)
    n2 = n_keys
    valid2 = ek >= 0
    cnt = jax.ops.segment_sum(valid1.astype(jnp.float32), einv, num_segments=n2)
    fsrc = jnp.where(valid2, ek // nnodes, 0)
    fdst = jnp.where(valid2, ek % nnodes, nnodes)
    return inv, n1, einv, n2, cnt, fsrc, fdst, valid1, valid2


def setup_inputs(seed: int = 0):
    key = jax.random.key(seed)
    ks = jax.random.split(key, 6)
    x = jax.random.normal(ks[0], (B, T_PAD, FEAT), dtype=jnp.float32)
    nodes = jax.random.normal(ks[1], (B, GRAPH_SIZE, FEAT), dtype=jnp.float32) * 0.1
    taus = jnp.full((B,), T_PAD, dtype=jnp.int32)
    T = jnp.full((B,), T0, dtype=jnp.int32)
    # causal sparse adjacency: entries (b, i, j) with j < i < NB
    rng = np.random.default_rng(0)
    i = rng.integers(1, NB, size=(E_TOT,))
    j = np.floor(rng.random(E_TOT) * i).astype(np.int64)
    b = np.repeat(np.arange(B), E_PER)
    adj_indices = jnp.asarray(np.stack([b, i, j]), dtype=jnp.int32)
    adj_values = jax.random.uniform(ks[2], (E_TOT,), dtype=jnp.float32) + 0.5
    # gnn parameters (GraphConv: out = tanh(A_w x W_src + x W_self + b))
    W_src = jax.random.normal(ks[3], (FEAT, FEAT), dtype=jnp.float32) / np.sqrt(FEAT)
    W_self = jax.random.normal(ks[4], (FEAT, FEAT), dtype=jnp.float32) / np.sqrt(FEAT)
    bias = jnp.zeros((FEAT,), dtype=jnp.float32)
    return dict(x=x, taus=taus, nodes=nodes, adj_indices=adj_indices,
                adj_values=adj_values, T=T, W_src=W_src, W_self=W_self, bias=bias)


def reference(x, taus, nodes, adj_indices, adj_values, T, W_src, W_self, bias):
    inv, n1, einv, n2, cnt, src, dst, valid1, valid2 = _index_pipeline(adj_indices)
    # util.get_new_node_idxs / get_nonpadded_idxs (uniform taus)
    b_idx = jnp.repeat(jnp.arange(B), T_PAD)
    tau_idx = (T[:, None] + jnp.arange(T_PAD)[None, :]).reshape(-1)
    dense_b = b_idx
    dense_tau = jnp.tile(jnp.arange(T_PAD), B)
    # nodes[B_idxs, tau_idxs] = x[dense_B_idxs, dense_tau_idxs]
    nodes = nodes.at[b_idx, tau_idx].set(x[dense_b, dense_tau])
    dirty = nodes
    # straight-through: values / values.detach()
    vals = jax.ops.segment_sum(adj_values, inv, num_segments=n1)
    w = jnp.where(valid1, vals / jax.lax.stop_gradient(vals), 0.0)
    # coalesce(reduce='mean') on flattened, flipped edge list
    wsum = jax.ops.segment_sum(w, einv, num_segments=n2)
    weights = jnp.where(valid2, wsum / cnt, 0.0)
    # util.flatten_nodes (uniform T + taus)
    flat = dirty[:, :NB, :].reshape(B * NB, FEAT)
    # gnn(flat_nodes, edges, weights): weighted GraphConv + tanh
    msg = jax.ops.segment_sum(weights[:, None] * flat[src], dst, num_segments=B * NB)
    node_feats = jnp.tanh(msg @ W_src + flat @ W_self + bias)
    # mx = node_feats[output_node_idxs]
    out_idx = (jnp.arange(B)[:, None] * NB + T0 + jnp.arange(T_PAD)[None, :]).reshape(-1)
    mx = node_feats[out_idx]
    mx_dense = jnp.zeros((B, T_PAD, FEAT), jnp.float32).at[dense_b, dense_tau].set(mx)
    T_new = T + taus
    return (mx_dense, nodes, T_new)

if __name__ == "__main__":
    import jax
    _d = setup_inputs()
    print(jax.jit(kernel)(*tuple(_d.values())))

</pallas_src>

<mosaic_0001>
#map = affine_map<(d0, d1) -> (0, 0)>
#map1 = affine_map<(d0, d1) -> (0)>
module attributes {stable_mosaic.version = 14 : i64} {
  func.func @_sc_scatter_body(%arg0: i32, %arg1: i32, %arg2: memref<3x294912xi32, #tpu.memory_space<hbm>>, %arg3: memref<1179648xf32, #tpu.memory_space<hbm>>, %arg4: memref<589824xf32, #tpu.memory_space<vmem_shared>>, %arg5: memref<1x9216xi32, #tpu.memory_space<vmem>>, %arg6: memref<1x9216xi32, #tpu.memory_space<vmem>>, %arg7: memref<9216xi32, #tpu.memory_space<vmem>>, %arg8: memref<9216xf32, #tpu.memory_space<vmem>>, %arg9: memref<36864xf32, #tpu.memory_space<vmem>>, %arg10: memref<!tpu.dma_semaphore, #tpu.memory_space<semaphore_mem>>, %arg11: memref<!tpu.dma_semaphore, #tpu.memory_space<semaphore_mem>>) attributes {dimension_semantics = [#tpu.dimension_semantics<core_parallel>, #tpu.dimension_semantics<subcore_parallel>], iteration_bounds = array<i64: 2, 16>, scalar_prefetch = 0 : i64, scratch_operands = 8 : i64, tpu.core_type = #tpu.core_type<sc_vector_subcore>, window_params = [{transform_indices = #map}, {transform_indices = #map1}]} {
    %mul3A = arith.constant 16 : i32
    %mul3A_0 = arith.muli %arg0, %mul3A : i32
    %add3A = arith.addi %mul3A_0, %arg1 : i32
    %mul3A_1 = arith.constant 9216 : i32
    %mul3A_2 = arith.muli %add3A, %mul3A_1 : i32
    %dma_start3A = arith.constant 1 : i32
    %dma_start3A_3 = tpu.memref_slice %arg2[%dma_start3A, %mul3A_2] : memref<3x294912xi32, #tpu.memory_space<hbm>> -> memref<1x9216xi32, #tpu.memory_space<hbm>>
    %dma_start3A_4 = arith.constant 1 : i32
    %dma_start3A_5 = tpu.memref_slice %arg2[%dma_start3A_4, %mul3A_2] : memref<3x294912xi32, #tpu.memory_space<hbm>> -> memref<1x9216xi32, #tpu.memory_space<hbm>>
    tpu.enqueue_dma source(%dma_start3A_5 : memref<1x9216xi32, #tpu.memory_space<hbm>>) target(%arg5 : memref<1x9216xi32, #tpu.memory_space<vmem>>) target_semaphore(%arg10 : memref<!tpu.dma_semaphore, #tpu.memory_space<semaphore_mem>>)
    %dma_start3A_6 = arith.constant 2 : i32
    %dma_start3A_7 = tpu.memref_slice %arg2[%dma_start3A_6, %mul3A_2] : memref<3x294912xi32, #tpu.memory_space<hbm>> -> memref<1x9216xi32, #tpu.memory_space<hbm>>
    %dma_start3A_8 = arith.constant 2 : i32
    %dma_start3A_9 = tpu.memref_slice %arg2[%dma_start3A_8, %mul3A_2] : memref<3x294912xi32, #tpu.memory_space<hbm>> -> memref<1x9216xi32, #tpu.memory_space<hbm>>
    tpu.enqueue_dma source(%dma_start3A_9 : memref<1x9216xi32, #tpu.memory_space<hbm>>) target(%arg6 : memref<1x9216xi32, #tpu.memory_space<vmem>>) target_semaphore(%arg10 : memref<!tpu.dma_semaphore, #tpu.memory_space<semaphore_mem>>)
    %scan3A = arith.constant 0 : i32
    %scan3A_10 = arith.constant 0 : i32
    %scan3A_11 = arith.constant 288 : i32
    %scan3A_12 = arith.addi %scan3A_10, %scan3A_11 : i32
    %scan3A_13 = arith.constant 1 : i32
    %scan3A_14 = scf.for %scan3A_74 = %scan3A_10 to %scan3A_12 step %scan3A_13 iter_args(%scan3A_75 = %scan3A) -> (i32)  : i32 {
      %broadcast_in_dim3A = arith.constant 0.000000e+00 : f32
      %broadcast_in_dim3A_76 = vector.broadcast %broadcast_in_dim3A : f32 to vector<16xf32>
      %mul3A_77 = arith.constant 8 : i32
      %mul3A_78 = arith.muli %scan3A_74, %mul3A_77 : i32
      %add3A_79 = arith.constant 0 : i32
      %add3A_80 = arith.addi %mul3A_78, %add3A_79 : i32
      %mul3A_81 = arith.constant 16 : i32
      %mul3A_82 = arith.muli %add3A_80, %mul3A_81 : i32
      %swap3A = arith.index_cast %mul3A_82 : i32 to index
      %swap3A_83 = tpu.vector_load %arg9[%swap3A] {strides = array<i32>} : memref<36864xf32, #tpu.memory_space<vmem>>, vector<16xf32>,
      %swap3A_84 = vector.shape_cast %swap3A_83 : vector<16xf32> to vector<16xf32>
      %swap3A_85 = vector.shape_cast %broadcast_in_dim3A_76 : vector<16xf32> to vector<16xf32>
      tpu.vector_store %arg9[%swap3A], %swap3A_85 {strides = array<i32>} : memref<36864xf32, #tpu.memory_space<vmem>>, vector<16xf32>,
      %broadcast_in_dim3A_86 = arith.constant 0.000000e+00 : f32
      %broadcast_in_dim3A_87 = vector.broadcast %broadcast_in_dim3A_86 : f32 to vector<16xf32>
      %mul3A_88 = arith.constant 8 : i32
      %mul3A_89 = arith.muli %scan3A_74, %mul3A_88 : i32
      %add3A_90 = arith.constant 1 : i32
      %add3A_91 = arith.addi %mul3A_89, %add3A_90 : i32
      %mul3A_92 = arith.constant 16 : i32
      %mul3A_93 = arith.muli %add3A_91, %mul3A_92 : i32
      %swap3A_94 = arith.index_cast %mul3A_93 : i32 to index
      %swap3A_95 = tpu.vector_load %arg9[%swap3A_94] {strides = array<i32>} : memref<36864xf32, #tpu.memory_space<vmem>>, vector<16xf32>,
      %swap3A_96 = vector.shape_cast %swap3A_95 : vector<16xf32> to vector<16xf32>
      %swap3A_97 = vector.shape_cast %broadcast_in_dim3A_87 : vector<16xf32> to vector<16xf32>
      tpu.vector_store %arg9[%swap3A_94], %swap3A_97 {strides = array<i32>} : memref<36864xf32, #tpu.memory_space<vmem>>, vector<16xf32>,
      %broadcast_in_dim3A_98 = arith.constant 0.000000e+00 : f32
      %broadcast_in_dim3A_99 = vector.broadcast %broadcast_in_dim3A_98 : f32 to vector<16xf32>
      %mul3A_100 = arith.constant 8 : i32
      %mul3A_101 = arith.muli %scan3A_74, %mul3A_100 : i32
      %add3A_102 = arith.constant 2 : i32
      %add3A_103 = arith.addi %mul3A_101, %add3A_102 : i32
      %mul3A_104 = arith.constant 16 : i32
      %mul3A_105 = arith.muli %add3A_103, %mul3A_104 : i32
      %swap3A_106 = arith.index_cast %mul3A_105 : i32 to index
      %swap3A_107 = tpu.vector_load %arg9[%swap3A_106] {strides = array<i32>} : memref<36864xf32, #tpu.memory_space<vmem>>, vector<16xf32>,
      %swap3A_108 = vector.shape_cast %swap3A_107 : vector<16xf32> to vector<16xf32>
      %swap3A_109 = vector.shape_cast %broadcast_in_dim3A_99 : vector<16xf32> to vector<16xf32>
      tpu.vector_store %arg9[%swap3A_106], %swap3A_109 {strides = array<i32>} : memref<36864xf32, #tpu.memory_space<vmem>>, vector<16xf32>,
      %broadcast_in_dim3A_110 = arith.constant 0.000000e+00 : f32
      %broadcast_in_dim3A_111 = vector.broadcast %broadcast_in_dim3A_110 : f32 to vector<16xf32>
      %mul3A_112 = arith.constant 8 : i32
      %mul3A_113 = arith.muli %scan3A_74, %mul3A_112 : i32
      %add3A_114 = arith.constant 3 : i32
      %add3A_115 = arith.addi %mul3A_113, %add3A_114 : i32
      %mul3A_116 = arith.constant 16 : i32
      %mul3A_117 = arith.muli %add3A_115, %mul3A_116 : i32
      %swap3A_118 = arith.index_cast %mul3A_117 : i32 to index
      %swap3A_119 = tpu.vector_load %arg9[%swap3A_118] {strides = array<i32>} : memref<36864xf32, #tpu.memory_space<vmem>>, vector<16xf32>,
      %swap3A_120 = vector.shape_cast %swap3A_119 : vector<16xf32> to vector<16xf32>
      %swap3A_121 = vector.shape_cast %broadcast_in_dim3A_111 : vector<16xf32> to vector<16xf32>
      tpu.vector_store %arg9[%swap3A_118], %swap3A_121 {strides = array<i32>} : memref<36864xf32, #tpu.memory_space<vmem>>, vector<16xf32>,
      %broadcast_in_dim3A_122 = arith.constant 0.000000e+00 : f32
      %broadcast_in_dim3A_123 = vector.broadcast %broadcast_in_dim3A_122 : f32 to vector<16xf32>
      %mul3A_124 = arith.constant 8 : i32
      %mul3A_125 = arith.muli %scan3A_74, %mul3A_124 : i32
      %add3A_126 = arith.constant 4 : i32
      %add3A_127 = arith.addi %mul3A_125, %add3A_126 : i32
      %mul3A_128 = arith.constant 16 : i32
      %mul3A_129 = arith.muli %add3A_127, %mul3A_128 : i32
      %swap3A_130 = arith.index_cast %mul3A_129 : i32 to index
      %swap3A_131 = tpu.vector_load %arg9[%swap3A_130] {strides = array<i32>} : memref<36864xf32, #tpu.memory_space<vmem>>, vector<16xf32>,
      %swap3A_132 = vector.shape_cast %swap3A_131 : vector<16xf32> to vector<16xf32>
      %swap3A_133 = vector.shape_cast %broadcast_in_dim3A_123 : vector<16xf32> to vector<16xf32>
      tpu.vector_store %arg9[%swap3A_130], %swap3A_133 {strides = array<i32>} : memref<36864xf32, #tpu.memory_space<vmem>>, vector<16xf32>,
      %broadcast_in_dim3A_134 = arith.constant 0.000000e+00 : f32
      %broadcast_in_dim3A_135 = vector.broadcast %broadcast_in_dim3A_134 : f32 to vector<16xf32>
      %mul3A_136 = arith.constant 8 : i32
      %mul3A_137 = arith.muli %scan3A_74, %mul3A_136 : i32
      %add3A_138 = arith.constant 5 : i32
      %add3A_139 = arith.addi %mul3A_137, %add3A_138 : i32
      %mul3A_140 = arith.constant 16 : i32
      %mul3A_141 = arith.muli %add3A_139, %mul3A_140 : i32
      %swap3A_142 = arith.index_cast %mul3A_141 : i32 to index
      %swap3A_143 = tpu.vector_load %arg9[%swap3A_142] {strides = array<i32>} : memref<36864xf32, #tpu.memory_space<vmem>>, vector<16xf32>,
      %swap3A_144 = vector.shape_cast %swap3A_143 : vector<16xf32> to vector<16xf32>
      %swap3A_145 = vector.shape_cast %broadcast_in_dim3A_135 : vector<16xf32> to vector<16xf32>
      tpu.vector_store %arg9[%swap3A_142], %swap3A_145 {strides = array<i32>} : memref<36864xf32, #tpu.memory_space<vmem>>, vector<16xf32>,
      %broadcast_in_dim3A_146 = arith.constant 0.000000e+00 : f32
      %broadcast_in_dim3A_147 = vector.broadcast %broadcast_in_dim3A_146 : f32 to vector<16xf32>
      %mul3A_148 = arith.constant 8 : i32
      %mul3A_149 = arith.muli %scan3A_74, %mul3A_148 : i32
      %add3A_150 = arith.constant 6 : i32
      %add3A_151 = arith.addi %mul3A_149, %add3A_150 : i32
      %mul3A_152 = arith.constant 16 : i32
      %mul3A_153 = arith.muli %add3A_151, %mul3A_152 : i32
      %swap3A_154 = arith.index_cast %mul3A_153 : i32 to index
      %swap3A_155 = tpu.vector_load %arg9[%swap3A_154] {strides = array<i32>} : memref<36864xf32, #tpu.memory_space<vmem>>, vector<16xf32>,
      %swap3A_156 = vector.shape_cast %swap3A_155 : vector<16xf32> to vector<16xf32>
      %swap3A_157 = vector.shape_cast %broadcast_in_dim3A_147 : vector<16xf32> to vector<16xf32>
      tpu.vector_store %arg9[%swap3A_154], %swap3A_157 {strides = array<i32>} : memref<36864xf32, #tpu.memory_space<vmem>>, vector<16xf32>,
      %broadcast_in_dim3A_158 = arith.constant 0.000000e+00 : f32
      %broadcast_in_dim3A_159 = vector.broadcast %broadcast_in_dim3A_158 : f32 to vector<16xf32>
      %mul3A_160 = arith.constant 8 : i32
      %mul3A_161 = arith.muli %scan3A_74, %mul3A_160 : i32
      %add3A_162 = arith.constant 7 : i32
      %add3A_163 = arith.addi %mul3A_161, %add3A_162 : i32
      %mul3A_164 = arith.constant 16 : i32
      %mul3A_165 = arith.muli %add3A_163, %mul3A_164 : i32
      %swap3A_166 = arith.index_cast %mul3A_165 : i32 to index
      %swap3A_167 = tpu.vector_load %arg9[%swap3A_166] {strides = array<i32>} : memref<36864xf32, #tpu.memory_space<vmem>>, vector<16xf32>,
      %swap3A_168 = vector.shape_cast %swap3A_167 : vector<16xf32> to vector<16xf32>
      %swap3A_169 = vector.shape_cast %broadcast_in_dim3A_159 : vector<16xf32> to vector<16xf32>
      tpu.vector_store %arg9[%swap3A_166], %swap3A_169 {strides = array<i32>} : memref<36864xf32, #tpu.memory_space<vmem>>, vector<16xf32>,
      %scan3A_170 = arith.constant 0 : i32
      scf.yield %scan3A_170 : i32
    }
    %scan3A_15 = arith.constant 288 : i32
    %scan3A_16 = arith.constant 0 : i32
    %scan3A_17 = arith.constant 0 : i32
    %scan3A_18 = arith.constant 72 : i32
    %scan3A_19 = arith.addi %scan3A_17, %scan3A_18 : i32
    %scan3A_20 = arith.constant 1 : i32
    %scan3A_21 = scf.for %scan3A_74 = %scan3A_17 to %scan3A_19 step %scan3A_20 iter_args(%scan3A_75 = %scan3A_16) -> (i32)  : i32 {
      %broadcast_in_dim3A = arith.constant 1.000000e+00 : f32
      %broadcast_in_dim3A_76 = vector.broadcast %broadcast_in_dim3A : f32 to vector<16xf32>
      %mul3A_77 = arith.constant 8 : i32
      %mul3A_78 = arith.muli %scan3A_74, %mul3A_77 : i32
      %add3A_79 = arith.constant 0 : i32
      %add3A_80 = arith.addi %mul3A_78, %add3A_79 : i32
      %mul3A_81 = arith.constant 16 : i32
      %mul3A_82 = arith.muli %add3A_80, %mul3A_81 : i32
      %swap3A = arith.index_cast %mul3A_82 : i32 to index
      %swap3A_83 = tpu.vector_load %arg8[%swap3A] {strides = array<i32>} : memref<9216xf32, #tpu.memory_space<vmem>>, vector<16xf32>,
      %swap3A_84 = vector.shape_cast %swap3A_83 : vector<16xf32> to vector<16xf32>
      %swap3A_85 = vector.shape_cast %broadcast_in_dim3A_76 : vector<16xf32> to vector<16xf32>
      tpu.vector_store %arg8[%swap3A], %swap3A_85 {strides = array<i32>} : memref<9216xf32, #tpu.memory_space<vmem>>, vector<16xf32>,
      %broadcast_in_dim3A_86 = arith.constant 1.000000e+00 : f32
      %broadcast_in_dim3A_87 = vector.broadcast %broadcast_in_dim3A_86 : f32 to vector<16xf32>
      %mul3A_88 = arith.constant 8 : i32
      %mul3A_89 = arith.muli %scan3A_74, %mul3A_88 : i32
      %add3A_90 = arith.constant 1 : i32
      %add3A_91 = arith.addi %mul3A_89, %add3A_90 : i32
      %mul3A_92 = arith.constant 16 : i32
      %mul3A_93 = arith.muli %add3A_91, %mul3A_92 : i32
      %swap3A_94 = arith.index_cast %mul3A_93 : i32 to index
      %swap3A_95 = tpu.vector_load %arg8[%swap3A_94] {strides = array<i32>} : memref<9216xf32, #tpu.memory_space<vmem>>, vector<16xf32>,
      %swap3A_96 = vector.shape_cast %swap3A_95 : vector<16xf32> to vector<16xf32>
      %swap3A_97 = vector.shape_cast %broadcast_in_dim3A_87 : vector<16xf32> to vector<16xf32>
      tpu.vector_store %arg8[%swap3A_94], %swap3A_97 {strides = array<i32>} : memref<9216xf32, #tpu.memory_space<vmem>>, vector<16xf32>,
      %broadcast_in_dim3A_98 = arith.constant 1.000000e+00 : f32
      %broadcast_in_dim3A_99 = vector.broadcast %broadcast_in_dim3A_98 : f32 to vector<16xf32>
      %mul3A_100 = arith.constant 8 : i32
      %mul3A_101 = arith.muli %scan3A_74, %mul3A_100 : i32
      %add3A_102 = arith.constant 2 : i32
      %add3A_103 = arith.addi %mul3A_101, %add3A_102 : i32
      %mul3A_104 = arith.constant 16 : i32
      %mul3A_105 = arith.muli %add3A_103, %mul3A_104 : i32
      %swap3A_106 = arith.index_cast %mul3A_105 : i32 to index
      %swap3A_107 = tpu.vector_load %arg8[%swap3A_106] {strides = array<i32>} : memref<9216xf32, #tpu.memory_space<vmem>>, vector<16xf32>,
      %swap3A_108 = vector.shape_cast %swap3A_107 : vector<16xf32> to vector<16xf32>
      %swap3A_109 = vector.shape_cast %broadcast_in_dim3A_99 : vector<16xf32> to vector<16xf32>
      tpu.vector_store %arg8[%swap3A_106], %swap3A_109 {strides = array<i32>} : memref<9216xf32, #tpu.memory_space<vmem>>, vector<16xf32>,
      %broadcast_in_dim3A_110 = arith.constant 1.000000e+00 : f32
      %broadcast_in_dim3A_111 = vector.broadcast %broadcast_in_dim3A_110 : f32 to vector<16xf32>
      %mul3A_112 = arith.constant 8 : i32
      %mul3A_113 = arith.muli %scan3A_74, %mul3A_112 : i32
      %add3A_114 = arith.constant 3 : i32
      %add3A_115 = arith.addi %mul3A_113, %add3A_114 : i32
      %mul3A_116 = arith.constant 16 : i32
      %mul3A_117 = arith.muli %add3A_115, %mul3A_116 : i32
      %swap3A_118 = arith.index_cast %mul3A_117 : i32 to index
      %swap3A_119 = tpu.vector_load %arg8[%swap3A_118] {strides = array<i32>} : memref<9216xf32, #tpu.memory_space<vmem>>, vector<16xf32>,
      %swap3A_120 = vector.shape_cast %swap3A_119 : vector<16xf32> to vector<16xf32>
      %swap3A_121 = vector.shape_cast %broadcast_in_dim3A_111 : vector<16xf32> to vector<16xf32>
      tpu.vector_store %arg8[%swap3A_118], %swap3A_121 {strides = array<i32>} : memref<9216xf32, #tpu.memory_space<vmem>>, vector<16xf32>,
      %broadcast_in_dim3A_122 = arith.constant 1.000000e+00 : f32
      %broadcast_in_dim3A_123 = vector.broadcast %broadcast_in_dim3A_122 : f32 to vector<16xf32>
      %mul3A_124 = arith.constant 8 : i32
      %mul3A_125 = arith.muli %scan3A_74, %mul3A_124 : i32
      %add3A_126 = arith.constant 4 : i32
      %add3A_127 = arith.addi %mul3A_125, %add3A_126 : i32
      %mul3A_128 = arith.constant 16 : i32
      %mul3A_129 = arith.muli %add3A_127, %mul3A_128 : i32
      %swap3A_130 = arith.index_cast %mul3A_129 : i32 to index
      %swap3A_131 = tpu.vector_load %arg8[%swap3A_130] {strides = array<i32>} : memref<9216xf32, #tpu.memory_space<vmem>>, vector<16xf32>,
      %swap3A_132 = vector.shape_cast %swap3A_131 : vector<16xf32> to vector<16xf32>
      %swap3A_133 = vector.shape_cast %broadcast_in_dim3A_123 : vector<16xf32> to vector<16xf32>
      tpu.vector_store %arg8[%swap3A_130], %swap3A_133 {strides = array<i32>} : memref<9216xf32, #tpu.memory_space<vmem>>, vector<16xf32>,
      %broadcast_in_dim3A_134 = arith.constant 1.000000e+00 : f32
      %broadcast_in_dim3A_135 = vector.broadcast %broadcast_in_dim3A_134 : f32 to vector<16xf32>
      %mul3A_136 = arith.constant 8 : i32
      %mul3A_137 = arith.muli %scan3A_74, %mul3A_136 : i32
      %add3A_138 = arith.constant 5 : i32
      %add3A_139 = arith.addi %mul3A_137, %add3A_138 : i32
      %mul3A_140 = arith.constant 16 : i32
      %mul3A_141 = arith.muli %add3A_139, %mul3A_140 : i32
      %swap3A_142 = arith.index_cast %mul3A_141 : i32 to index
      %swap3A_143 = tpu.vector_load %arg8[%swap3A_142] {strides = array<i32>} : memref<9216xf32, #tpu.memory_space<vmem>>, vector<16xf32>,
      %swap3A_144 = vector.shape_cast %swap3A_143 : vector<16xf32> to vector<16xf32>
      %swap3A_145 = vector.shape_cast %broadcast_in_dim3A_135 : vector<16xf32> to vector<16xf32>
      tpu.vector_store %arg8[%swap3A_142], %swap3A_145 {strides = array<i32>} : memref<9216xf32, #tpu.memory_space<vmem>>, vector<16xf32>,
      %broadcast_in_dim3A_146 = arith.constant 1.000000e+00 : f32
      %broadcast_in_dim3A_147 = vector.broadcast %broadcast_in_dim3A_146 : f32 to vector<16xf32>
      %mul3A_148 = arith.constant 8 : i32
      %mul3A_149 = arith.muli %scan3A_74, %mul3A_148 : i32
      %add3A_150 = arith.constant 6 : i32
      %add3A_151 = arith.addi %mul3A_149, %add3A_150 : i32
      %mul3A_152 = arith.constant 16 : i32
      %mul3A_153 = arith.muli %add3A_151, %mul3A_152 : i32
      %swap3A_154 = arith.index_cast %mul3A_153 : i32 to index
      %swap3A_155 = tpu.vector_load %arg8[%swap3A_154] {strides = array<i32>} : memref<9216xf32, #tpu.memory_space<vmem>>, vector<16xf32>,
      %swap3A_156 = vector.shape_cast %swap3A_155 : vector<16xf32> to vector<16xf32>
      %swap3A_157 = vector.shape_cast %broadcast_in_dim3A_147 : vector<16xf32> to vector<16xf32>
      tpu.vector_store %arg8[%swap3A_154], %swap3A_157 {strides = array<i32>} : memref<9216xf32, #tpu.memory_space<vmem>>, vector<16xf32>,
      %broadcast_in_dim3A_158 = arith.constant 1.000000e+00 : f32
      %broadcast_in_dim3A_159 = vector.broadcast %broadcast_in_dim3A_158 : f32 to vector<16xf32>
      %mul3A_160 = arith.constant 8 : i32
      %mul3A_161 = arith.muli %scan3A_74, %mul3A_160 : i32
      %add3A_162 = arith.constant 7 : i32
      %add3A_163 = arith.addi %mul3A_161, %add3A_162 : i32
      %mul3A_164 = arith.constant 16 : i32
      %mul3A_165 = arith.muli %add3A_163, %mul3A_164 : i32
      %swap3A_166 = arith.index_cast %mul3A_165 : i32 to index
      %swap3A_167 = tpu.vector_load %arg8[%swap3A_166] {strides = array<i32>} : memref<9216xf32, #tpu.memory_space<vmem>>, vector<16xf32>,
      %swap3A_168 = vector.shape_cast %swap3A_167 : vector<16xf32> to vector<16xf32>
      %swap3A_169 = vector.shape_cast %broadcast_in_dim3A_159 : vector<16xf32> to vector<16xf32>
      tpu.vector_store %arg8[%swap3A_166], %swap3A_169 {strides = array<i32>} : memref<9216xf32, #tpu.memory_space<vmem>>, vector<16xf32>,
      %scan3A_170 = arith.constant 0 : i32
      scf.yield %scan3A_170 : i32
    }
    %scan3A_22 = arith.constant 72 : i32
    %mul3A_23 = arith.constant 36864 : i32
    %mul3A_24 = arith.muli %arg1, %mul3A_23 : i32
    %dma_start3A_25 = tpu.memref_slice %arg4[%mul3A_24] : memref<589824xf32, #tpu.memory_space<vmem_shared>> -> memref<36864xf32, #tpu.memory_space<vmem_shared>>
    %dma_start3A_26 = tpu.memref_slice %arg4[%mul3A_24] : memref<589824xf32, #tpu.memory_space<vmem_shared>> -> memref<36864xf32, #tpu.memory_space<vmem_shared>>
    tpu.enqueue_dma source(%arg9 : memref<36864xf32, #tpu.memory_space<vmem>>) target(%dma_start3A_26 : memref<36864xf32, #tpu.memory_space<vmem_shared>>) target_semaphore(%arg11 : memref<!tpu.dma_semaphore, #tpu.memory_space<semaphore_mem>>)
    %dma_wait3A = arith.constant 1 : i32
    %dma_wait3A_27 = tpu.memref_slice %arg2[%dma_wait3A, %mul3A_2] : memref<3x294912xi32, #tpu.memory_space<hbm>> -> memref<1x9216xi32, #tpu.memory_space<hbm>>
    %dma_wait3A_28 = arith.constant 1 : i32
    %dma_wait3A_29 = tpu.memref_slice %arg2[%dma_wait3A_28, %mul3A_2] : memref<3x294912xi32, #tpu.memory_space<hbm>> -> memref<1x9216xi32, #tpu.memory_space<hbm>>
    tpu.wait_dma2 semaphore(%arg10 : memref<!tpu.dma_semaphore, #tpu.memory_space<semaphore_mem>>) src(%dma_wait3A_29 : memref<1x9216xi32, #tpu.memory_space<hbm>>) dst(%arg5 : memref<1x9216xi32, #tpu.memory_space<vmem>>)
    %dma_wait3A_30 = arith.constant 2 : i32
    %dma_wait3A_31 = tpu.memref_slice %arg2[%dma_wait3A_30, %mul3A_2] : memref<3x294912xi32, #tpu.memory_space<hbm>> -> memref<1x9216xi32, #tpu.memory_space<hbm>>
    %dma_wait3A_32 = arith.constant 2 : i32
    %dma_wait3A_33 = tpu.memref_slice %arg2[%dma_wait3A_32, %mul3A_2] : memref<3x294912xi32, #tpu.memory_space<hbm>> -> memref<1x9216xi32, #tpu.memory_space<hbm>>
    tpu.wait_dma2 semaphore(%arg10 : memref<!tpu.dma_semaphore, #tpu.memory_space<semaphore_mem>>) src(%dma_wait3A_33 : memref<1x9216xi32, #tpu.memory_space<hbm>>) dst(%arg6 : memref<1x9216xi32, #tpu.memory_space<vmem>>)
    %jit3A = arith.constant 4 : i32
    %div3A = arith.divsi %add3A, %jit3A : i32
    %sign3A = arith.constant 0 : i32
    %sign3A_34 = arith.cmpi sgt, %add3A, %sign3A : i32
    %sign3A_35 = arith.extui %sign3A_34 : i1 to i32
    %sign3A_36 = arith.constant 0 : i32
    %sign3A_37 = arith.cmpi slt, %add3A, %sign3A_36 : i32
    %sign3A_38 = arith.extui %sign3A_37 : i1 to i32
    %sign3A_39 = arith.subi %sign3A_35, %sign3A_38 : i32
    %sign3A_40 = arith.constant 0 : i32
    %sign3A_41 = arith.cmpi sgt, %jit3A, %sign3A_40 : i32
    %sign3A_42 = arith.extui %sign3A_41 : i1 to i32
    %sign3A_43 = arith.constant 0 : i32
    %sign3A_44 = arith.cmpi slt, %jit3A, %sign3A_43 : i32
    %sign3A_45 = arith.extui %sign3A_44 : i1 to i32
    %sign3A_46 = arith.subi %sign3A_42, %sign3A_45 : i32
    %ne3A = arith.cmpi ne, %sign3A_39, %sign3A_46 : i32
    %rem3A = arith.remsi %add3A, %jit3A : i32
    %ne3A_47 = arith.constant 0 : i32
    %ne3A_48 = arith.cmpi ne, %rem3A, %ne3A_47 : i32
    %and3A = arith.andi %ne3A, %ne3A_48 : i1
    %sub3A = arith.constant 1 : i32
    %sub3A_49 = arith.subi %div3A, %sub3A : i32
    %select_n3A = arith.select %and3A, %sub3A_49, %div3A : i32
    %mul3A_50 = arith.constant 4 : i32
    %mul3A_51 = arith.muli %arg0, %mul3A_50 : i32
    %sub3A_52 = arith.subi %select_n3A, %mul3A_51 : i32
    %mul3A_53 = arith.constant 1152 : i32
    %mul3A_54 = arith.muli %sub3A_52, %mul3A_53 : i32
    %scan3A_55 = arith.constant 0 : i32
    %scan3A_56 = arith.constant 0 : i32
    %scan3A_57 = arith.constant 72 : i32
    %scan3A_58 = arith.addi %scan3A_56, %scan3A_57 : i32
    %scan3A_59 = arith.constant 1 : i32
    %scan3A_60 = scf.for %scan3A_74 = %scan3A_56 to %scan3A_58 step %scan3A_59 iter_args(%scan3A_75 = %scan3A_55) -> (i32)  : i32 {
      %mul3A_76 = arith.constant 8 : i32
      %mul3A_77 = arith.muli %scan3A_74, %mul3A_76 : i32
      %add3A_78 = arith.constant 0 : i32
      %add3A_79 = arith.addi %mul3A_77, %add3A_78 : i32
      %mul3A_80 = arith.constant 16 : i32
      %mul3A_81 = arith.muli %add3A_79, %mul3A_80 : i32
      %get3A = arith.constant 0 : i32
      %get3A_82 = arith.index_cast %get3A : i32 to index
      %get3A_83 = arith.index_cast %mul3A_81 : i32 to index
      %get3A_84 = tpu.vector_load %arg5[%get3A_82, %get3A_83] {strides = array<i32>} : memref<1x9216xi32, #tpu.memory_space<vmem>>, vector<1x16xi32>,
      %get3A_85 = vector.shape_cast %get3A_84 : vector<1x16xi32> to vector<16xi32>
      %mul3A_86 = arith.constant 16 : i32
      %mul3A_87 = arith.muli %add3A_79, %mul3A_86 : i32
      %get3A_88 = arith.constant 0 : i32
      %get3A_89 = arith.index_cast %get3A_88 : i32 to index
      %get3A_90 = arith.index_cast %mul3A_87 : i32 to index
      %get3A_91 = tpu.vector_load %arg6[%get3A_89, %get3A_90] {strides = array<i32>} : memref<1x9216xi32, #tpu.memory_space<vmem>>, vector<1x16xi32>,
      %get3A_92 = vector.shape_cast %get3A_91 : vector<1x16xi32> to vector<16xi32>
      %and3A_93 = arith.constant -128 : i32
      %and3A_94 = vector.broadcast %and3A_93 : i32 to vector<16xi32>
      %and3A_95 = arith.andi %get3A_92, %and3A_94 : vector<16xi32>
      %and3A_96 = arith.constant 127 : i32
      %and3A_97 = vector.broadcast %and3A_96 : i32 to vector<16xi32>
      %and3A_98 = arith.andi %get3A_85, %and3A_97 : vector<16xi32>
      %add3A_99 = arith.addi %and3A_95, %and3A_98 : vector<16xi32>
      %add3A_100 = vector.broadcast %mul3A_54 : i32 to vector<16xi32>
      %add3A_101 = arith.addi %add3A_99, %add3A_100 : vector<16xi32>
      %shift_left3A = arith.constant 7 : i32
      %shift_left3A_102 = vector.broadcast %shift_left3A : i32 to vector<16xi32>
      %shift_left3A_103 = arith.shli %add3A_101, %shift_left3A_102 : vector<16xi32>
      %and3A_104 = arith.constant 127 : i32
      %and3A_105 = vector.broadcast %and3A_104 : i32 to vector<16xi32>
      %and3A_106 = arith.andi %get3A_92, %and3A_105 : vector<16xi32>
      %add3A_107 = arith.addi %shift_left3A_103, %and3A_106 : vector<16xi32>
      %ge3A = arith.constant 1024 : i32
      %ge3A_108 = vector.broadcast %ge3A : i32 to vector<16xi32>
      %ge3A_109 = arith.cmpi sge, %get3A_85, %ge3A_108 : vector<16xi32>
      %jit3A_110 = arith.constant -1 : i32
      %broadcast_in_dim3A = vector.broadcast %jit3A_110 : i32 to vector<16xi32>
      %select_n3A_111 = arith.select %ge3A_109, %add3A_107, %broadcast_in_dim3A : vector<16xi1>, vector<16xi32>
      %mul3A_112 = arith.constant 16 : i32
      %mul3A_113 = arith.muli %add3A_79, %mul3A_112 : i32
      %swap3A = arith.index_cast %mul3A_113 : i32 to index
      %swap3A_114 = tpu.vector_load %arg7[%swap3A] {strides = array<i32>} : memref<9216xi32, #tpu.memory_space<vmem>>, vector<16xi32>,
      %swap3A_115 = vector.shape_cast %swap3A_114 : vector<16xi32> to vector<16xi32>
      %swap3A_116 = vector.shape_cast %select_n3A_111 : vector<16xi32> to vector<16xi32>
      tpu.vector_store %arg7[%swap3A], %swap3A_116 {strides = array<i32>} : memref<9216xi32, #tpu.memory_space<vmem>>, vector<16xi32>,
      %mul3A_117 = arith.constant 8 : i32
      %mul3A_118 = arith.muli %scan3A_74, %mul3A_117 : i32
      %add3A_119 = arith.constant 1 : i32
      %add3A_120 = arith.addi %mul3A_118, %add3A_119 : i32
      %mul3A_121 = arith.constant 16 : i32
      %mul3A_122 = arith.muli %add3A_120, %mul3A_121 : i32
      %get3A_123 = arith.constant 0 : i32
      %get3A_124 = arith.index_cast %get3A_123 : i32 to index
      %get3A_125 = arith.index_cast %mul3A_122 : i32 to index
      %get3A_126 = tpu.vector_load %arg5[%get3A_124, %get3A_125] {strides = array<i32>} : memref<1x9216xi32, #tpu.memory_space<vmem>>, vector<1x16xi32>,
      %get3A_127 = vector.shape_cast %get3A_126 : vector<1x16xi32> to vector<16xi32>
      %mul3A_128 = arith.constant 16 : i32
      %mul3A_129 = arith.muli %add3A_120, %mul3A_128 : i32
      %get3A_130 = arith.constant 0 : i32
      %get3A_131 = arith.index_cast %get3A_130 : i32 to index
      %get3A_132 = arith.index_cast %mul3A_129 : i32 to index
      %get3A_133 = tpu.vector_load %arg6[%get3A_131, %get3A_132] {strides = array<i32>} : memref<1x9216xi32, #tpu.memory_space<vmem>>, vector<1x16xi32>,
      %get3A_134 = vector.shape_cast %get3A_133 : vector<1x16xi32> to vector<16xi32>
      %and3A_135 = arith.constant -128 : i32
      %and3A_136 = vector.broadcast %and3A_135 : i32 to vector<16xi32>
      %and3A_137 = arith.andi %get3A_134, %and3A_136 : vector<16xi32>
      %and3A_138 = arith.constant 127 : i32
      %and3A_139 = vector.broadcast %and3A_138 : i32 to vector<16xi32>
      %and3A_140 = arith.andi %get3A_127, %and3A_139 : vector<16xi32>
      %add3A_141 = arith.addi %and3A_137, %and3A_140 : vector<16xi32>
      %add3A_142 = vector.broadcast %mul3A_54 : i32 to vector<16xi32>
      %add3A_143 = arith.addi %add3A_141, %add3A_142 : vector<16xi32>
      %shift_left3A_144 = arith.constant 7 : i32
      %shift_left3A_145 = vector.broadcast %shift_left3A_144 : i32 to vector<16xi32>
      %shift_left3A_146 = arith.shli %add3A_143, %shift_left3A_145 : vector<16xi32>
      %and3A_147 = arith.constant 127 : i32
      %and3A_148 = vector.broadcast %and3A_147 : i32 to vector<16xi32>
      %and3A_149 = arith.andi %get3A_134, %and3A_148 : vector<16xi32>
      %add3A_150 = arith.addi %shift_left3A_146, %and3A_149 : vector<16xi32>
      %ge3A_151 = arith.constant 1024 : i32
      %ge3A_152 = vector.broadcast %ge3A_151 : i32 to vector<16xi32>
      %ge3A_153 = arith.cmpi sge, %get3A_127, %ge3A_152 : vector<16xi32>
      %jit3A_154 = arith.constant -1 : i32
      %broadcast_in_dim3A_155 = vector.broadcast %jit3A_154 : i32 to vector<16xi32>
      %select_n3A_156 = arith.select %ge3A_153, %add3A_150, %broadcast_in_dim3A_155 : vector<16xi1>, vector<16xi32>
      %mul3A_157 = arith.constant 16 : i32
      %mul3A_158 = arith.muli %add3A_120, %mul3A_157 : i32
      %swap3A_159 = arith.index_cast %mul3A_158 : i32 to index
      %swap3A_160 = tpu.vector_load %arg7[%swap3A_159] {strides = array<i32>} : memref<9216xi32, #tpu.memory_space<vmem>>, vector<16xi32>,
      %swap3A_161 = vector.shape_cast %swap3A_160 : vector<16xi32> to vector<16xi32>
      %swap3A_162 = vector.shape_cast %select_n3A_156 : vector<16xi32> to vector<16xi32>
      tpu.vector_store %arg7[%swap3A_159], %swap3A_162 {strides = array<i32>} : memref<9216xi32, #tpu.memory_space<vmem>>, vector<16xi32>,
      %mul3A_163 = arith.constant 8 : i32
      %mul3A_164 = arith.muli %scan3A_74, %mul3A_163 : i32
      %add3A_165 = arith.constant 2 : i32
      %add3A_166 = arith.addi %mul3A_164, %add3A_165 : i32
      %mul3A_167 = arith.constant 16 : i32
      %mul3A_168 = arith.muli %add3A_166, %mul3A_167 : i32
      %get3A_169 = arith.constant 0 : i32
      %get3A_170 = arith.index_cast %get3A_169 : i32 to index
      %get3A_171 = arith.index_cast %mul3A_168 : i32 to index
      %get3A_172 = tpu.vector_load %arg5[%get3A_170, %get3A_171] {strides = array<i32>} : memref<1x9216xi32, #tpu.memory_space<vmem>>, vector<1x16xi32>,
      %get3A_173 = vector.shape_cast %get3A_172 : vector<1x16xi32> to vector<16xi32>
      %mul3A_174 = arith.constant 16 : i32
      %mul3A_175 = arith.muli %add3A_166, %mul3A_174 : i32
      %get3A_176 = arith.constant 0 : i32
      %get3A_177 = arith.index_cast %get3A_176 : i32 to index
      %get3A_178 = arith.index_cast %mul3A_175 : i32 to index
      %get3A_179 = tpu.vector_load %arg6[%get3A_177, %get3A_178] {strides = array<i32>} : memref<1x9216xi32, #tpu.memory_space<vmem>>, vector<1x16xi32>,
      %get3A_180 = vector.shape_cast %get3A_179 : vector<1x16xi32> to vector<16xi32>
      %and3A_181 = arith.constant -128 : i32
      %and3A_182 = vector.broadcast %and3A_181 : i32 to vector<16xi32>
      %and3A_183 = arith.andi %get3A_180, %and3A_182 : vector<16xi32>
      %and3A_184 = arith.constant 127 : i32
      %and3A_185 = vector.broadcast %and3A_184 : i32 to vector<16xi32>
      %and3A_186 = arith.andi %get3A_173, %and3A_185 : vector<16xi32>
      %add3A_187 = arith.addi %and3A_183, %and3A_186 : vector<16xi32>
      %add3A_188 = vector.broadcast %mul3A_54 : i32 to vector<16xi32>
      %add3A_189 = arith.addi %add3A_187, %add3A_188 : vector<16xi32>
      %shift_left3A_190 = arith.constant 7 : i32
      %shift_left3A_191 = vector.broadcast %shift_left3A_190 : i32 to vector<16xi32>
      %shift_left3A_192 = arith.shli %add3A_189, %shift_left3A_191 : vector<16xi32>
      %and3A_193 = arith.constant 127 : i32
      %and3A_194 = vector.broadcast %and3A_193 : i32 to vector<16xi32>
      %and3A_195 = arith.andi %get3A_180, %and3A_194 : vector<16xi32>
      %add3A_196 = arith.addi %shift_left3A_192, %and3A_195 : vector<16xi32>
      %ge3A_197 = arith.constant 1024 : i32
      %ge3A_198 = vector.broadcast %ge3A_197 : i32 to vector<16xi32>
      %ge3A_199 = arith.cmpi sge, %get3A_173, %ge3A_198 : vector<16xi32>
      %jit3A_200 = arith.constant -1 : i32
      %broadcast_in_dim3A_201 = vector.broadcast %jit3A_200 : i32 to vector<16xi32>
      %select_n3A_202 = arith.select %ge3A_199, %add3A_196, %broadcast_in_dim3A_201 : vector<16xi1>, vector<16xi32>
      %mul3A_203 = arith.constant 16 : i32
      %mul3A_204 = arith.muli %add3A_166, %mul3A_203 : i32
      %swap3A_205 = arith.index_cast %mul3A_204 : i32 to index
      %swap3A_206 = tpu.vector_load %arg7[%swap3A_205] {strides = array<i32>} : memref<9216xi32, #tpu.memory_space<vmem>>, vector<16xi32>,
      %swap3A_207 = vector.shape_cast %swap3A_206 : vector<16xi32> to vector<16xi32>
      %swap3A_208 = vector.shape_cast %select_n3A_202 : vector<16xi32> to vector<16xi32>
      tpu.vector_store %arg7[%swap3A_205], %swap3A_208 {strides = array<i32>} : memref<9216xi32, #tpu.memory_space<vmem>>, vector<16xi32>,
      %mul3A_209 = arith.constant 8 : i32
      %mul3A_210 = arith.muli %scan3A_74, %mul3A_209 : i32
      %add3A_211 = arith.constant 3 : i32
      %add3A_212 = arith.addi %mul3A_210, %add3A_211 : i32
      %mul3A_213 = arith.constant 16 : i32
      %mul3A_214 = arith.muli %add3A_212, %mul3A_213 : i32
      %get3A_215 = arith.constant 0 : i32
      %get3A_216 = arith.index_cast %get3A_215 : i32 to index
      %get3A_217 = arith.index_cast %mul3A_214 : i32 to index
      %get3A_218 = tpu.vector_load %arg5[%get3A_216, %get3A_217] {strides = array<i32>} : memref<1x9216xi32, #tpu.memory_space<vmem>>, vector<1x16xi32>,
      %get3A_219 = vector.shape_cast %get3A_218 : vector<1x16xi32> to vector<16xi32>
      %mul3A_220 = arith.constant 16 : i32
      %mul3A_221 = arith.muli %add3A_212, %mul3A_220 : i32
      %get3A_222 = arith.constant 0 : i32
      %get3A_223 = arith.index_cast %get3A_222 : i32 to index
      %get3A_224 = arith.index_cast %mul3A_221 : i32 to index
      %get3A_225 = tpu.vector_load %arg6[%get3A_223, %get3A_224] {strides = array<i32>} : memref<1x9216xi32, #tpu.memory_space<vmem>>, vector<1x16xi32>,
      %get3A_226 = vector.shape_cast %get3A_225 : vector<1x16xi32> to vector<16xi32>
      %and3A_227 = arith.constant -128 : i32
      %and3A_228 = vector.broadcast %and3A_227 : i32 to vector<16xi32>
      %and3A_229 = arith.andi %get3A_226, %and3A_228 : vector<16xi32>
      %and3A_230 = arith.constant 127 : i32
      %and3A_231 = vector.broadcast %and3A_230 : i32 to vector<16xi32>
      %and3A_232 = arith.andi %get3A_219, %and3A_231 : vector<16xi32>
      %add3A_233 = arith.addi %and3A_229, %and3A_232 : vector<16xi32>
      %add3A_234 = vector.broadcast %mul3A_54 : i32 to vector<16xi32>
      %add3A_235 = arith.addi %add3A_233, %add3A_234 : vector<16xi32>
      %shift_left3A_236 = arith.constant 7 : i32
      %shift_left3A_237 = vector.broadcast %shift_left3A_236 : i32 to vector<16xi32>
      %shift_left3A_238 = arith.shli %add3A_235, %shift_left3A_237 : vector<16xi32>
      %and3A_239 = arith.constant 127 : i32
      %and3A_240 = vector.broadcast %and3A_239 : i32 to vector<16xi32>
      %and3A_241 = arith.andi %get3A_226, %and3A_240 : vector<16xi32>
      %add3A_242 = arith.addi %shift_left3A_238, %and3A_241 : vector<16xi32>
      %ge3A_243 = arith.constant 1024 : i32
      %ge3A_244 = vector.broadcast %ge3A_243 : i32 to vector<16xi32>
      %ge3A_245 = arith.cmpi sge, %get3A_219, %ge3A_244 : vector<16xi32>
      %jit3A_246 = arith.constant -1 : i32
      %broadcast_in_dim3A_247 = vector.broadcast %jit3A_246 : i32 to vector<16xi32>
      %select_n3A_248 = arith.select %ge3A_245, %add3A_242, %broadcast_in_dim3A_247 : vector<16xi1>, vector<16xi32>
      %mul3A_249 = arith.constant 16 : i32
      %mul3A_250 = arith.muli %add3A_212, %mul3A_249 : i32
      %swap3A_251 = arith.index_cast %mul3A_250 : i32 to index
      %swap3A_252 = tpu.vector_load %arg7[%swap3A_251] {strides = array<i32>} : memref<9216xi32, #tpu.memory_space<vmem>>, vector<16xi32>,
      %swap3A_253 = vector.shape_cast %swap3A_252 : vector<16xi32> to vector<16xi32>
      %swap3A_254 = vector.shape_cast %select_n3A_248 : vector<16xi32> to vector<16xi32>
      tpu.vector_store %arg7[%swap3A_251], %swap3A_254 {strides = array<i32>} : memref<9216xi32, #tpu.memory_space<vmem>>, vector<16xi32>,
      %mul3A_255 = arith.constant 8 : i32
      %mul3A_256 = arith.muli %scan3A_74, %mul3A_255 : i32
      %add3A_257 = arith.constant 4 : i32
      %add3A_258 = arith.addi %mul3A_256, %add3A_257 : i32
      %mul3A_259 = arith.constant 16 : i32
      %mul3A_260 = arith.muli %add3A_258, %mul3A_259 : i32
      %get3A_261 = arith.constant 0 : i32
      %get3A_262 = arith.index_cast %get3A_261 : i32 to index
      %get3A_263 = arith.index_cast %mul3A_260 : i32 to index
      %get3A_264 = tpu.vector_load %arg5[%get3A_262, %get3A_263] {strides = array<i32>} : memref<1x9216xi32, #tpu.memory_space<vmem>>, vector<1x16xi32>,
      %get3A_265 = vector.shape_cast %get3A_264 : vector<1x16xi32> to vector<16xi32>
      %mul3A_266 = arith.constant 16 : i32
      %mul3A_267 = arith.muli %add3A_258, %mul3A_266 : i32
      %get3A_268 = arith.constant 0 : i32
      %get3A_269 = arith.index_cast %get3A_268 : i32 to index
      %get3A_270 = arith.index_cast %mul3A_267 : i32 to index
      %get3A_271 = tpu.vector_load %arg6[%get3A_269, %get3A_270] {strides = array<i32>} : memref<1x9216xi32, #tpu.memory_space<vmem>>, vector<1x16xi32>,
      %get3A_272 = vector.shape_cast %get3A_271 : vector<1x16xi32> to vector<16xi32>
      %and3A_273 = arith.constant -128 : i32
      %and3A_274 = vector.broadcast %and3A_273 : i32 to vector<16xi32>
      %and3A_275 = arith.andi %get3A_272, %and3A_274 : vector<16xi32>
      %and3A_276 = arith.constant 127 : i32
      %and3A_277 = vector.broadcast %and3A_276 : i32 to vector<16xi32>
      %and3A_278 = arith.andi %get3A_265, %and3A_277 : vector<16xi32>
      %add3A_279 = arith.addi %and3A_275, %and3A_278 : vector<16xi32>
      %add3A_280 = vector.broadcast %mul3A_54 : i32 to vector<16xi32>
      %add3A_281 = arith.addi %add3A_279, %add3A_280 : vector<16xi32>
      %shift_left3A_282 = arith.constant 7 : i32
      %shift_left3A_283 = vector.broadcast %shift_left3A_282 : i32 to vector<16xi32>
      %shift_left3A_284 = arith.shli %add3A_281, %shift_left3A_283 : vector<16xi32>
      %and3A_285 = arith.constant 127 : i32
      %and3A_286 = vector.broadcast %and3A_285 : i32 to vector<16xi32>
      %and3A_287 = arith.andi %get3A_272, %and3A_286 : vector<16xi32>
      %add3A_288 = arith.addi %shift_left3A_284, %and3A_287 : vector<16xi32>
      %ge3A_289 = arith.constant 1024 : i32
      %ge3A_290 = vector.broadcast %ge3A_289 : i32 to vector<16xi32>
      %ge3A_291 = arith.cmpi sge, %get3A_265, %ge3A_290 : vector<16xi32>
      %jit3A_292 = arith.constant -1 : i32
      %broadcast_in_dim3A_293 = vector.broadcast %jit3A_292 : i32 to vector<16xi32>
      %select_n3A_294 = arith.select %ge3A_291, %add3A_288, %broadcast_in_dim3A_293 : vector<16xi1>, vector<16xi32>
      %mul3A_295 = arith.constant 16 : i32
      %mul3A_296 = arith.muli %add3A_258, %mul3A_295 : i32
      %swap3A_297 = arith.index_cast %mul3A_296 : i32 to index
      %swap3A_298 = tpu.vector_load %arg7[%swap3A_297] {strides = array<i32>} : memref<9216xi32, #tpu.memory_space<vmem>>, vector<16xi32>,
      %swap3A_299 = vector.shape_cast %swap3A_298 : vector<16xi32> to vector<16xi32>
      %swap3A_300 = vector.shape_cast %select_n3A_294 : vector<16xi32> to vector<16xi32>
      tpu.vector_store %arg7[%swap3A_297], %swap3A_300 {strides = array<i32>} : memref<9216xi32, #tpu.memory_space<vmem>>, vector<16xi32>,
      %mul3A_301 = arith.constant 8 : i32
      %mul3A_302 = arith.muli %scan3A_74, %mul3A_301 : i32
      %add3A_303 = arith.constant 5 : i32
      %add3A_304 = arith.addi %mul3A_302, %add3A_303 : i32
      %mul3A_305 = arith.constant 16 : i32
      %mul3A_306 = arith.muli %add3A_304, %mul3A_305 : i32
      %get3A_307 = arith.constant 0 : i32
      %get3A_308 = arith.index_cast %get3A_307 : i32 to index
      %get3A_309 = arith.index_cast %mul3A_306 : i32 to index
      %get3A_310 = tpu.vector_load %arg5[%get3A_308, %get3A_309] {strides = array<i32>} : memref<1x9216xi32, #tpu.memory_space<vmem>>, vector<1x16xi32>,
      %get3A_311 = vector.shape_cast %get3A_310 : vector<1x16xi32> to vector<16xi32>
      %mul3A_312 = arith.constant 16 : i32
      %mul3A_313 = arith.muli %add3A_304, %mul3A_312 : i32
      %get3A_314 = arith.constant 0 : i32
      %get3A_315 = arith.index_cast %get3A_314 : i32 to index
      %get3A_316 = arith.index_cast %mul3A_313 : i32 to index
      %get3A_317 = tpu.vector_load %arg6[%get3A_315, %get3A_316] {strides = array<i32>} : memref<1x9216xi32, #tpu.memory_space<vmem>>, vector<1x16xi32>,
      %get3A_318 = vector.shape_cast %get3A_317 : vector<1x16xi32> to vector<16xi32>
      %and3A_319 = arith.constant -128 : i32
      %and3A_320 = vector.broadcast %and3A_319 : i32 to vector<16xi32>
      %and3A_321 = arith.andi %get3A_318, %and3A_320 : vector<16xi32>
      %and3A_322 = arith.constant 127 : i32
      %and3A_323 = vector.broadcast %and3A_322 : i32 to vector<16xi32>
      %and3A_324 = arith.andi %get3A_311, %and3A_323 : vector<16xi32>
      %add3A_325 = arith.addi %and3A_321, %and3A_324 : vector<16xi32>
      %add3A_326 = vector.broadcast %mul3A_54 : i32 to vector<16xi32>
      %add3A_327 = arith.addi %add3A_325, %add3A_326 : vector<16xi32>
      %shift_left3A_328 = arith.constant 7 : i32
      %shift_left3A_329 = vector.broadcast %shift_left3A_328 : i32 to vector<16xi32>
      %shift_left3A_330 = arith.shli %add3A_327, %shift_left3A_329 : vector<16xi32>
      %and3A_331 = arith.constant 127 : i32
      %and3A_332 = vector.broadcast %and3A_331 : i32 to vector<16xi32>
      %and3A_333 = arith.andi %get3A_318, %and3A_332 : vector<16xi32>
      %add3A_334 = arith.addi %shift_left3A_330, %and3A_333 : vector<16xi32>
      %ge3A_335 = arith.constant 1024 : i32
      %ge3A_336 = vector.broadcast %ge3A_335 : i32 to vector<16xi32>
      %ge3A_337 = arith.cmpi sge, %get3A_311, %ge3A_336 : vector<16xi32>
      %jit3A_338 = arith.constant -1 : i32
      %broadcast_in_dim3A_339 = vector.broadcast %jit3A_338 : i32 to vector<16xi32>
      %select_n3A_340 = arith.select %ge3A_337, %add3A_334, %broadcast_in_dim3A_339 : vector<16xi1>, vector<16xi32>
      %mul3A_341 = arith.constant 16 : i32
      %mul3A_342 = arith.muli %add3A_304, %mul3A_341 : i32
      %swap3A_343 = arith.index_cast %mul3A_342 : i32 to index
      %swap3A_344 = tpu.vector_load %arg7[%swap3A_343] {strides = array<i32>} : memref<9216xi32, #tpu.memory_space<vmem>>, vector<16xi32>,
      %swap3A_345 = vector.shape_cast %swap3A_344 : vector<16xi32> to vector<16xi32>
      %swap3A_346 = vector.shape_cast %select_n3A_340 : vector<16xi32> to vector<16xi32>
      tpu.vector_store %arg7[%swap3A_343], %swap3A_346 {strides = array<i32>} : memref<9216xi32, #tpu.memory_space<vmem>>, vector<16xi32>,
      %mul3A_347 = arith.constant 8 : i32
      %mul3A_348 = arith.muli %scan3A_74, %mul3A_347 : i32
      %add3A_349 = arith.constant 6 : i32
      %add3A_350 = arith.addi %mul3A_348, %add3A_349 : i32
      %mul3A_351 = arith.constant 16 : i32
      %mul3A_352 = arith.muli %add3A_350, %mul3A_351 : i32
      %get3A_353 = arith.constant 0 : i32
      %get3A_354 = arith.index_cast %get3A_353 : i32 to index
      %get3A_355 = arith.index_cast %mul3A_352 : i32 to index
      %get3A_356 = tpu.vector_load %arg5[%get3A_354, %get3A_355] {strides = array<i32>} : memref<1x9216xi32, #tpu.memory_space<vmem>>, vector<1x16xi32>,
      %get3A_357 = vector.shape_cast %get3A_356 : vector<1x16xi32> to vector<16xi32>
      %mul3A_358 = arith.constant 16 : i32
      %mul3A_359 = arith.muli %add3A_350, %mul3A_358 : i32
      %get3A_360 = arith.constant 0 : i32
      %get3A_361 = arith.index_cast %get3A_360 : i32 to index
      %get3A_362 = arith.index_cast %mul3A_359 : i32 to index
      %get3A_363 = tpu.vector_load %arg6[%get3A_361, %get3A_362] {strides = array<i32>} : memref<1x9216xi32, #tpu.memory_space<vmem>>, vector<1x16xi32>,
      %get3A_364 = vector.shape_cast %get3A_363 : vector<1x16xi32> to vector<16xi32>
      %and3A_365 = arith.constant -128 : i32
      %and3A_366 = vector.broadcast %and3A_365 : i32 to vector<16xi32>
      %and3A_367 = arith.andi %get3A_364, %and3A_366 : vector<16xi32>
      %and3A_368 = arith.constant 127 : i32
      %and3A_369 = vector.broadcast %and3A_368 : i32 to vector<16xi32>
      %and3A_370 = arith.andi %get3A_357, %and3A_369 : vector<16xi32>
      %add3A_371 = arith.addi %and3A_367, %and3A_370 : vector<16xi32>
      %add3A_372 = vector.broadcast %mul3A_54 : i32 to vector<16xi32>
      %add3A_373 = arith.addi %add3A_371, %add3A_372 : vector<16xi32>
      %shift_left3A_374 = arith.constant 7 : i32
      %shift_left3A_375 = vector.broadcast %shift_left3A_374 : i32 to vector<16xi32>
      %shift_left3A_376 = arith.shli %add3A_373, %shift_left3A_375 : vector<16xi32>
      %and3A_377 = arith.constant 127 : i32
      %and3A_378 = vector.broadcast %and3A_377 : i32 to vector<16xi32>
      %and3A_379 = arith.andi %get3A_364, %and3A_378 : vector<16xi32>
      %add3A_380 = arith.addi %shift_left3A_376, %and3A_379 : vector<16xi32>
      %ge3A_381 = arith.constant 1024 : i32
      %ge3A_382 = vector.broadcast %ge3A_381 : i32 to vector<16xi32>
      %ge3A_383 = arith.cmpi sge, %get3A_357, %ge3A_382 : vector<16xi32>
      %jit3A_384 = arith.constant -1 : i32
      %broadcast_in_dim3A_385 = vector.broadcast %jit3A_384 : i32 to vector<16xi32>
      %select_n3A_386 = arith.select %ge3A_383, %add3A_380, %broadcast_in_dim3A_385 : vector<16xi1>, vector<16xi32>
      %mul3A_387 = arith.constant 16 : i32
      %mul3A_388 = arith.muli %add3A_350, %mul3A_387 : i32
      %swap3A_389 = arith.index_cast %mul3A_388 : i32 to index
      %swap3A_390 = tpu.vector_load %arg7[%swap3A_389] {strides = array<i32>} : memref<9216xi32, #tpu.memory_space<vmem>>, vector<16xi32>,
      %swap3A_391 = vector.shape_cast %swap3A_390 : vector<16xi32> to vector<16xi32>
      %swap3A_392 = vector.shape_cast %select_n3A_386 : vector<16xi32> to vector<16xi32>
      tpu.vector_store %arg7[%swap3A_389], %swap3A_392 {strides = array<i32>} : memref<9216xi32, #tpu.memory_space<vmem>>, vector<16xi32>,
      %mul3A_393 = arith.constant 8 : i32
      %mul3A_394 = arith.muli %scan3A_74, %mul3A_393 : i32
      %add3A_395 = arith.constant 7 : i32
      %add3A_396 = arith.addi %mul3A_394, %add3A_395 : i32
      %mul3A_397 = arith.constant 16 : i32
      %mul3A_398 = arith.muli %add3A_396, %mul3A_397 : i32
      %get3A_399 = arith.constant 0 : i32
      %get3A_400 = arith.index_cast %get3A_399 : i32 to index
      %get3A_401 = arith.index_cast %mul3A_398 : i32 to index
      %get3A_402 = tpu.vector_load %arg5[%get3A_400, %get3A_401] {strides = array<i32>} : memref<1x9216xi32, #tpu.memory_space<vmem>>, vector<1x16xi32>,
      %get3A_403 = vector.shape_cast %get3A_402 : vector<1x16xi32> to vector<16xi32>
      %mul3A_404 = arith.constant 16 : i32
      %mul3A_405 = arith.muli %add3A_396, %mul3A_404 : i32
      %get3A_406 = arith.constant 0 : i32
      %get3A_407 = arith.index_cast %get3A_406 : i32 to index
      %get3A_408 = arith.index_cast %mul3A_405 : i32 to index
      %get3A_409 = tpu.vector_load %arg6[%get3A_407, %get3A_408] {strides = array<i32>} : memref<1x9216xi32, #tpu.memory_space<vmem>>, vector<1x16xi32>,
      %get3A_410 = vector.shape_cast %get3A_409 : vector<1x16xi32> to vector<16xi32>
      %and3A_411 = arith.constant -128 : i32
      %and3A_412 = vector.broadcast %and3A_411 : i32 to vector<16xi32>
      %and3A_413 = arith.andi %get3A_410, %and3A_412 : vector<16xi32>
      %and3A_414 = arith.constant 127 : i32
      %and3A_415 = vector.broadcast %and3A_414 : i32 to vector<16xi32>
      %and3A_416 = arith.andi %get3A_403, %and3A_415 : vector<16xi32>
      %add3A_417 = arith.addi %and3A_413, %and3A_416 : vector<16xi32>
      %add3A_418 = vector.broadcast %mul3A_54 : i32 to vector<16xi32>
      %add3A_419 = arith.addi %add3A_417, %add3A_418 : vector<16xi32>
      %shift_left3A_420 = arith.constant 7 : i32
      %shift_left3A_421 = vector.broadcast %shift_left3A_420 : i32 to vector<16xi32>
      %shift_left3A_422 = arith.shli %add3A_419, %shift_left3A_421 : vector<16xi32>
      %and3A_423 = arith.constant 127 : i32
      %and3A_424 = vector.broadcast %and3A_423 : i32 to vector<16xi32>
      %and3A_425 = arith.andi %get3A_410, %and3A_424 : vector<16xi32>
      %add3A_426 = arith.addi %shift_left3A_422, %and3A_425 : vector<16xi32>
      %ge3A_427 = arith.constant 1024 : i32
      %ge3A_428 = vector.broadcast %ge3A_427 : i32 to vector<16xi32>
      %ge3A_429 = arith.cmpi sge, %get3A_403, %ge3A_428 : vector<16xi32>
      %jit3A_430 = arith.constant -1 : i32
      %broadcast_in_dim3A_431 = vector.broadcast %jit3A_430 : i32 to vector<16xi32>
      %select_n3A_432 = arith.select %ge3A_429, %add3A_426, %broadcast_in_dim3A_431 : vector<16xi1>, vector<16xi32>
      %mul3A_433 = arith.constant 16 : i32
      %mul3A_434 = arith.muli %add3A_396, %mul3A_433 : i32
      %swap3A_435 = arith.index_cast %mul3A_434 : i32 to index
      %swap3A_436 = tpu.vector_load %arg7[%swap3A_435] {strides = array<i32>} : memref<9216xi32, #tpu.memory_space<vmem>>, vector<16xi32>,
      %swap3A_437 = vector.shape_cast %swap3A_436 : vector<16xi32> to vector<16xi32>
      %swap3A_438 = vector.shape_cast %select_n3A_432 : vector<16xi32> to vector<16xi32>
      tpu.vector_store %arg7[%swap3A_435], %swap3A_438 {strides = array<i32>} : memref<9216xi32, #tpu.memory_space<vmem>>, vector<16xi32>,
      %scan3A_439 = arith.constant 0 : i32
      scf.yield %scan3A_439 : i32
    }
    %scan3A_61 = arith.constant 72 : i32
    %dma_wait3A_62 = tpu.memref_slice %arg4[%mul3A_24] : memref<589824xf32, #tpu.memory_space<vmem_shared>> -> memref<36864xf32, #tpu.memory_space<vmem_shared>>
    %dma_wait3A_63 = tpu.memref_slice %arg4[%mul3A_24] : memref<589824xf32, #tpu.memory_space<vmem_shared>> -> memref<36864xf32, #tpu.memory_space<vmem_shared>>
    tpu.wait_dma2 semaphore(%arg11 : memref<!tpu.dma_semaphore, #tpu.memory_space<semaphore_mem>>) src(%arg9 : memref<36864xf32, #tpu.memory_space<vmem>>) dst(%dma_wait3A_63 : memref<36864xf32, #tpu.memory_space<vmem_shared>>)
    %barrier3A = arith.constant 0 : index
    tpu.barrier barrier_id(%barrier3A)
    "tpu.region"() ({
      %run_scoped3A = tpu.sem_alloc : memref<!tpu.dma_semaphore, #tpu.memory_space<semaphore_mem>>
      %dma_start3A_74 = arith.constant 0 : i32
      %dma_start3A_75 = tpu.memref_slice %arg4[%dma_start3A_74] : memref<589824xf32, #tpu.memory_space<vmem_shared>> -> memref<589824xf32, #tpu.memory_space<vmem_shared>>
      %dma_start3A_76 = arith.constant -1 : i32
      tpu.enqueue_indirect_dma source(%arg8 : memref<9216xf32, #tpu.memory_space<vmem>>) target(%dma_start3A_75 : memref<589824xf32, #tpu.memory_space<vmem_shared>>) offsets(%arg7 : memref<9216xi32, #tpu.memory_space<vmem>>) offset_filter(%dma_start3A_76) semaphore(%run_scoped3A : memref<!tpu.dma_semaphore, #tpu.memory_space<semaphore_mem>>)
      %dma_wait3A_77 = arith.constant 0 : i32
      %dma_wait3A_78 = tpu.memref_slice %arg4[%dma_wait3A_77] : memref<589824xf32, #tpu.memory_space<vmem_shared>> -> memref<589824xf32, #tpu.memory_space<vmem_shared>>
      tpu.wait_indirect_dma semaphore(%run_scoped3A : memref<!tpu.dma_semaphore, #tpu.memory_space<semaphore_mem>>) src(%arg8 : memref<9216xf32, #tpu.memory_space<vmem>>) dst(%dma_wait3A_78 : memref<589824xf32, #tpu.memory_space<vmem_shared>>)
      tpu.yield
    }) : () -> ()
    %barrier3A_64 = arith.constant 0 : index
    tpu.barrier barrier_id(%barrier3A_64)
    %mul3A_65 = arith.constant 512 : i32
    %mul3A_66 = arith.muli %arg0, %mul3A_65 : i32
    %mul3A_67 = arith.constant 32 : i32
    %mul3A_68 = arith.muli %arg1, %mul3A_67 : i32
    %add3A_69 = arith.addi %mul3A_66, %mul3A_68 : i32
    %mul3A_70 = arith.constant 1152 : i32
    %mul3A_71 = arith.muli %add3A_69, %mul3A_70 : i32
    %mul3A_72 = arith.constant 36864 : i32
    %mul3A_73 = arith.muli %arg1, %mul3A_72 : i32
    "tpu.region"() ({
      %run_scoped3A = tpu.sem_alloc : memref<!tpu.dma_semaphore, #tpu.memory_space<semaphore_mem>>
      %dma_start3A_74 = tpu.memref_slice %arg3[%mul3A_71] : memref<1179648xf32, #tpu.memory_space<hbm>> -> memref<36864xf32, #tpu.memory_space<hbm>>
      %dma_start3A_75 = tpu.memref_slice %arg4[%mul3A_73] : memref<589824xf32, #tpu.memory_space<vmem_shared>> -> memref<36864xf32, #tpu.memory_space<vmem_shared>>
      tpu.enqueue_dma source(%dma_start3A_75 : memref<36864xf32, #tpu.memory_space<vmem_shared>>) target(%dma_start3A_74 : memref<36864xf32, #tpu.memory_space<hbm>>) target_semaphore(%run_scoped3A : memref<!tpu.dma_semaphore, #tpu.memory_space<semaphore_mem>>)
      %dma_wait3A_76 = tpu.memref_slice %arg3[%mul3A_71] : memref<1179648xf32, #tpu.memory_space<hbm>> -> memref<36864xf32, #tpu.memory_space<hbm>>
      %dma_wait3A_77 = tpu.memref_slice %arg4[%mul3A_73] : memref<589824xf32, #tpu.memory_space<vmem_shared>> -> memref<36864xf32, #tpu.memory_space<vmem_shared>>
      tpu.wait_dma2 semaphore(%run_scoped3A : memref<!tpu.dma_semaphore, #tpu.memory_space<semaphore_mem>>) src(%dma_wait3A_77 : memref<36864xf32, #tpu.memory_space<vmem_shared>>) dst(%dma_wait3A_76 : memref<36864xf32, #tpu.memory_space<hbm>>)
      tpu.yield
    }) : () -> ()
    return
  }
}

module attributes {stable_mosaic.version = 14 : i64} {
  func.func @_tc_mx_body(%arg0: i32, %arg1: memref<144x8x128xf32, #tpu.memory_space<vmem>>, %arg2: memref<1x1024x128xbf16, #tpu.memory_space<vmem>>, %arg3: memref<1x128x128xf32, #tpu.memory_space<vmem>>, %arg4: memref<128x128xf32, #tpu.memory_space<vmem>>, %arg5: memref<128x128xf32, #tpu.memory_space<vmem>>, %arg6: memref<1x128xf32, #tpu.memory_space<vmem>>, %arg7: memref<1x128x128xf32, #tpu.memory_space<vmem>>) attributes {dimension_semantics = [#tpu.dimension_semantics<arbitrary>], iteration_bounds = array<i64: 8>, scalar_prefetch = 0 : i64, scratch_operands = 0 : i64, tpu.core_type = #tpu.core_type<tc>, window_params = [{transform_indices = @transform_0, window_bounds = array<i64: 144, 8, 128>}, {transform_indices = @transform_1, window_bounds = array<i64: 1, 1024, 128>}, {transform_indices = @transform_2, window_bounds = array<i64: 1, 128, 128>}, {pipeline_mode = #tpu.pipeline_mode<synchronous>, transform_indices = @transform_3, window_bounds = array<i64: 128, 128>}, {pipeline_mode = #tpu.pipeline_mode<synchronous>, transform_indices = @transform_4, window_bounds = array<i64: 128, 128>}, {pipeline_mode = #tpu.pipeline_mode<synchronous>, transform_indices = @transform_5, window_bounds = array<i64: 1, 128>}, {transform_indices = @transform_6, window_bounds = array<i64: 1, 128, 128>}]} {
    %get3A = arith.constant 0 : index
    %get3A_0 = arith.constant 0 : index
    %get3A_1 = arith.constant 0 : index
    %get3A_2 = vector.load %arg1[%get3A, %get3A_0, %get3A_1] : memref<144x8x128xf32, #tpu.memory_space<vmem>>, vector<144x8x128xf32>
    %get3A_3 = arith.constant 0 : index
    %get3A_4 = arith.constant 0 : index
    %get3A_5 = arith.constant 0 : index
    %get3A_6 = vector.load %arg2[%get3A_3, %get3A_4, %get3A_5] : memref<1x1024x128xbf16, #tpu.memory_space<vmem>>, vector<1x1024x128xbf16>
    %get3A_7 = vector.shape_cast %get3A_6 : vector<1x1024x128xbf16> to vector<1024x128xbf16>
    %get3A_8 = arith.constant 0 : index
    %get3A_9 = arith.constant 0 : index
    %get3A_10 = arith.constant 0 : index
    %get3A_11 = vector.load %arg3[%get3A_8, %get3A_9, %get3A_10] : memref<1x128x128xf32, #tpu.memory_space<vmem>>, vector<1x128x128xf32>
    %get3A_12 = vector.shape_cast %get3A_11 : vector<1x128x128xf32> to vector<128x128xf32>
    %slice3A = vector.extract_strided_slice %get3A_2 {offsets = [128, 0, 0], sizes = [16, 8, 128], strides = [1, 1, 1]} : vector<144x8x128xf32> to vector<16x8x128xf32>
    %reshape3A = vector.shape_cast %slice3A : vector<16x8x128xf32> to vector<128x128xf32>
    %dot_general3A = arith.constant dense<0.000000e+00> : vector<128x128xf32>
    %dot_general3A_13 = tpu.matmul %reshape3A, %get3A_12, %dot_general3A {dimension_numbers = #tpu.dot_dimension_numbers<[1], [0], [0], [1], [0, 0, 1, 1], [], []>, transpose_lhs_hint = false} : vector<128x128xf32>, vector<128x128xf32>, vector<128x128xf32> -> vector<128x128xf32>
    %slice3A_14 = vector.extract_strided_slice %get3A_2 {offsets = [0, 0, 0], sizes = [16, 8, 128], strides = [1, 1, 1]} : vector<144x8x128xf32> to vector<16x8x128xf32>
    %reshape3A_15 = vector.shape_cast %slice3A_14 : vector<16x8x128xf32> to vector<128x128xf32>
    %convert_element_type3A = arith.truncf %reshape3A_15 : vector<128x128xf32> to vector<128x128xbf16>
    %slice3A_16 = vector.extract_strided_slice %get3A_7 {offsets = [0, 0], sizes = [128, 128], strides = [1, 1]} : vector<1024x128xbf16> to vector<128x128xbf16>
    %dot_general3A_17 = arith.constant dense<0.000000e+00> : vector<128x128xf32>
    %dot_general3A_18 = tpu.matmul %convert_element_type3A, %slice3A_16, %dot_general3A_17 {dimension_numbers = #tpu.dot_dimension_numbers<[1], [0], [0], [1], [0, 0, 1, 1], [], []>, transpose_lhs_hint = false} : vector<128x128xbf16>, vector<128x128xbf16>, vector<128x128xf32> -> vector<128x128xf32>
    %add3A = arith.addf %dot_general3A_13, %dot_general3A_18 : vector<128x128xf32>
    %slice3A_19 = vector.extract_strided_slice %get3A_2 {offsets = [16, 0, 0], sizes = [16, 8, 128], strides = [1, 1, 1]} : vector<144x8x128xf32> to vector<16x8x128xf32>
    %reshape3A_20 = vector.shape_cast %slice3A_19 : vector<16x8x128xf32> to vector<128x128xf32>
    %convert_element_type3A_21 = arith.truncf %reshape3A_20 : vector<128x128xf32> to vector<128x128xbf16>
    %slice3A_22 = vector.extract_strided_slice %get3A_7 {offsets = [128, 0], sizes = [128, 128], strides = [1, 1]} : vector<1024x128xbf16> to vector<128x128xbf16>
    %dot_general3A_23 = arith.constant dense<0.000000e+00> : vector<128x128xf32>
    %dot_general3A_24 = tpu.matmul %convert_element_type3A_21, %slice3A_22, %dot_general3A_23 {dimension_numbers = #tpu.dot_dimension_numbers<[1], [0], [0], [1], [0, 0, 1, 1], [], []>, transpose_lhs_hint = false} : vector<128x128xbf16>, vector<128x128xbf16>, vector<128x128xf32> -> vector<128x128xf32>
    %add3A_25 = arith.addf %add3A, %dot_general3A_24 : vector<128x128xf32>
    %slice3A_26 = vector.extract_strided_slice %get3A_2 {offsets = [32, 0, 0], sizes = [16, 8, 128], strides = [1, 1, 1]} : vector<144x8x128xf32> to vector<16x8x128xf32>
    %reshape3A_27 = vector.shape_cast %slice3A_26 : vector<16x8x128xf32> to vector<128x128xf32>
    %convert_element_type3A_28 = arith.truncf %reshape3A_27 : vector<128x128xf32> to vector<128x128xbf16>
    %slice3A_29 = vector.extract_strided_slice %get3A_7 {offsets = [256, 0], sizes = [128, 128], strides = [1, 1]} : vector<1024x128xbf16> to vector<128x128xbf16>
    %dot_general3A_30 = arith.constant dense<0.000000e+00> : vector<128x128xf32>
    %dot_general3A_31 = tpu.matmul %convert_element_type3A_28, %slice3A_29, %dot_general3A_30 {dimension_numbers = #tpu.dot_dimension_numbers<[1], [0], [0], [1], [0, 0, 1, 1], [], []>, transpose_lhs_hint = false} : vector<128x128xbf16>, vector<128x128xbf16>, vector<128x128xf32> -> vector<128x128xf32>
    %add3A_32 = arith.addf %add3A_25, %dot_general3A_31 : vector<128x128xf32>
    %slice3A_33 = vector.extract_strided_slice %get3A_2 {offsets = [48, 0, 0], sizes = [16, 8, 128], strides = [1, 1, 1]} : vector<144x8x128xf32> to vector<16x8x128xf32>
    %reshape3A_34 = vector.shape_cast %slice3A_33 : vector<16x8x128xf32> to vector<128x128xf32>
    %convert_element_type3A_35 = arith.truncf %reshape3A_34 : vector<128x128xf32> to vector<128x128xbf16>
    %slice3A_36 = vector.extract_strided_slice %get3A_7 {offsets = [384, 0], sizes = [128, 128], strides = [1, 1]} : vector<1024x128xbf16> to vector<128x128xbf16>
    %dot_general3A_37 = arith.constant dense<0.000000e+00> : vector<128x128xf32>
    %dot_general3A_38 = tpu.matmul %convert_element_type3A_35, %slice3A_36, %dot_general3A_37 {dimension_numbers = #tpu.dot_dimension_numbers<[1], [0], [0], [1], [0, 0, 1, 1], [], []>, transpose_lhs_hint = false} : vector<128x128xbf16>, vector<128x128xbf16>, vector<128x128xf32> -> vector<128x128xf32>
    %add3A_39 = arith.addf %add3A_32, %dot_general3A_38 : vector<128x128xf32>
    %slice3A_40 = vector.extract_strided_slice %get3A_2 {offsets = [64, 0, 0], sizes = [16, 8, 128], strides = [1, 1, 1]} : vector<144x8x128xf32> to vector<16x8x128xf32>
    %reshape3A_41 = vector.shape_cast %slice3A_40 : vector<16x8x128xf32> to vector<128x128xf32>
    %convert_element_type3A_42 = arith.truncf %reshape3A_41 : vector<128x128xf32> to vector<128x128xbf16>
    %slice3A_43 = vector.extract_strided_slice %get3A_7 {offsets = [512, 0], sizes = [128, 128], strides = [1, 1]} : vector<1024x128xbf16> to vector<128x128xbf16>
    %dot_general3A_44 = arith.constant dense<0.000000e+00> : vector<128x128xf32>
    %dot_general3A_45 = tpu.matmul %convert_element_type3A_42, %slice3A_43, %dot_general3A_44 {dimension_numbers = #tpu.dot_dimension_numbers<[1], [0], [0], [1], [0, 0, 1, 1], [], []>, transpose_lhs_hint = false} : vector<128x128xbf16>, vector<128x128xbf16>, vector<128x128xf32> -> vector<128x128xf32>
    %add3A_46 = arith.addf %add3A_39, %dot_general3A_45 : vector<128x128xf32>
    %slice3A_47 = vector.extract_strided_slice %get3A_2 {offsets = [80, 0, 0], sizes = [16, 8, 128], strides = [1, 1, 1]} : vector<144x8x128xf32> to vector<16x8x128xf32>
    %reshape3A_48 = vector.shape_cast %slice3A_47 : vector<16x8x128xf32> to vector<128x128xf32>
    %convert_element_type3A_49 = arith.truncf %reshape3A_48 : vector<128x128xf32> to vector<128x128xbf16>
    %slice3A_50 = vector.extract_strided_slice %get3A_7 {offsets = [640, 0], sizes = [128, 128], strides = [1, 1]} : vector<1024x128xbf16> to vector<128x128xbf16>
    %dot_general3A_51 = arith.constant dense<0.000000e+00> : vector<128x128xf32>
    %dot_general3A_52 = tpu.matmul %convert_element_type3A_49, %slice3A_50, %dot_general3A_51 {dimension_numbers = #tpu.dot_dimension_numbers<[1], [0], [0], [1], [0, 0, 1, 1], [], []>, transpose_lhs_hint = false} : vector<128x128xbf16>, vector<128x128xbf16>, vector<128x128xf32> -> vector<128x128xf32>
    %add3A_53 = arith.addf %add3A_46, %dot_general3A_52 : vector<128x128xf32>
    %slice3A_54 = vector.extract_strided_slice %get3A_2 {offsets = [96, 0, 0], sizes = [16, 8, 128], strides = [1, 1, 1]} : vector<144x8x128xf32> to vector<16x8x128xf32>
    %reshape3A_55 = vector.shape_cast %slice3A_54 : vector<16x8x128xf32> to vector<128x128xf32>
    %convert_element_type3A_56 = arith.truncf %reshape3A_55 : vector<128x128xf32> to vector<128x128xbf16>
    %slice3A_57 = vector.extract_strided_slice %get3A_7 {offsets = [768, 0], sizes = [128, 128], strides = [1, 1]} : vector<1024x128xbf16> to vector<128x128xbf16>
    %dot_general3A_58 = arith.constant dense<0.000000e+00> : vector<128x128xf32>
    %dot_general3A_59 = tpu.matmul %convert_element_type3A_56, %slice3A_57, %dot_general3A_58 {dimension_numbers = #tpu.dot_dimension_numbers<[1], [0], [0], [1], [0, 0, 1, 1], [], []>, transpose_lhs_hint = false} : vector<128x128xbf16>, vector<128x128xbf16>, vector<128x128xf32> -> vector<128x128xf32>
    %add3A_60 = arith.addf %add3A_53, %dot_general3A_59 : vector<128x128xf32>
    %slice3A_61 = vector.extract_strided_slice %get3A_2 {offsets = [112, 0, 0], sizes = [16, 8, 128], strides = [1, 1, 1]} : vector<144x8x128xf32> to vector<16x8x128xf32>
    %reshape3A_62 = vector.shape_cast %slice3A_61 : vector<16x8x128xf32> to vector<128x128xf32>
    %convert_element_type3A_63 = arith.truncf %reshape3A_62 : vector<128x128xf32> to vector<128x128xbf16>
    %slice3A_64 = vector.extract_strided_slice %get3A_7 {offsets = [896, 0], sizes = [128, 128], strides = [1, 1]} : vector<1024x128xbf16> to vector<128x128xbf16>
    %dot_general3A_65 = arith.constant dense<0.000000e+00> : vector<128x128xf32>
    %dot_general3A_66 = tpu.matmul %convert_element_type3A_63, %slice3A_64, %dot_general3A_65 {dimension_numbers = #tpu.dot_dimension_numbers<[1], [0], [0], [1], [0, 0, 1, 1], [], []>, transpose_lhs_hint = false} : vector<128x128xbf16>, vector<128x128xbf16>, vector<128x128xf32> -> vector<128x128xf32>
    %add3A_67 = arith.addf %add3A_60, %dot_general3A_66 : vector<128x128xf32>
    %get3A_68 = arith.constant 0 : index
    %get3A_69 = arith.constant 0 : index
    %get3A_70 = vector.load %arg4[%get3A_68, %get3A_69] : memref<128x128xf32, #tpu.memory_space<vmem>>, vector<128x128xf32>
    %dot_general3A_71 = arith.constant dense<0.000000e+00> : vector<128x128xf32>
    %dot_general3A_72 = tpu.matmul %add3A_67, %get3A_70, %dot_general3A_71 {dimension_numbers = #tpu.dot_dimension_numbers<[1], [0], [0], [1], [0, 0, 1, 1], [], []>, transpose_lhs_hint = false} : vector<128x128xf32>, vector<128x128xf32>, vector<128x128xf32> -> vector<128x128xf32>
    %get3A_73 = arith.constant 0 : index
    %get3A_74 = arith.constant 0 : index
    %get3A_75 = vector.load %arg5[%get3A_73, %get3A_74] : memref<128x128xf32, #tpu.memory_space<vmem>>, vector<128x128xf32>
    %dot_general3A_76 = arith.constant dense<0.000000e+00> : vector<128x128xf32>
    %dot_general3A_77 = tpu.matmul %get3A_12, %get3A_75, %dot_general3A_76 {dimension_numbers = #tpu.dot_dimension_numbers<[1], [0], [0], [1], [0, 0, 1, 1], [], []>, transpose_lhs_hint = false} : vector<128x128xf32>, vector<128x128xf32>, vector<128x128xf32> -> vector<128x128xf32>
    %add3A_78 = arith.addf %dot_general3A_72, %dot_general3A_77 : vector<128x128xf32>
    %get3A_79 = arith.constant 0 : index
    %get3A_80 = arith.constant 0 : index
    %get3A_81 = vector.load %arg6[%get3A_79, %get3A_80] : memref<1x128xf32, #tpu.memory_space<vmem>>, vector<1x128xf32>
    %add3A_82 = vector.broadcast %get3A_81 : vector<1x128xf32> to vector<128x128xf32>
    %add3A_83 = arith.addf %add3A_78, %add3A_82 : vector<128x128xf32>
    %tanh3A = math.tanh %add3A_83 : vector<128x128xf32>
    %swap3A = arith.constant 0 : index
    %swap3A_84 = arith.constant 0 : index
    %swap3A_85 = arith.constant 0 : index
    %swap3A_86 = vector.load %arg7[%swap3A, %swap3A_84, %swap3A_85] : memref<1x128x128xf32, #tpu.memory_space<vmem>>, vector<1x128x128xf32>
    %swap3A_87 = vector.shape_cast %swap3A_86 : vector<1x128x128xf32> to vector<128x128xf32>
    %swap3A_88 = vector.shape_cast %tanh3A : vector<128x128xf32> to vector<1x128x128xf32>
    tpu.vector_store %arg7[%swap3A, %swap3A_84, %swap3A_85], %swap3A_88 {strides = array<i32>} : memref<1x128x128xf32, #tpu.memory_space<vmem>>, vector<1x128x128xf32>,
    return
  }
  func.func @transform_0(%arg0: i32) -> (i32, i32, i32) {
    %c0_i32 = arith.constant 0 : i32
    %c0_i32_0 = arith.constant 0 : i32
    %c0_i32_1 = arith.constant 0 : i32
    return %arg0, %c0_i32, %c0_i32_0 : i32, i32, i32
  }
  func.func @transform_1(%arg0: i32) -> (i32, i32, i32) {
    %c0_i32 = arith.constant 0 : i32
    %c0_i32_0 = arith.constant 0 : i32
    %c0_i32_1 = arith.constant 0 : i32
    return %arg0, %c0_i32, %c0_i32_0 : i32, i32, i32
  }
  func.func @transform_2(%arg0: i32) -> (i32, i32, i32) {
    %c0_i32 = arith.constant 0 : i32
    %c0_i32_0 = arith.constant 0 : i32
    %c0_i32_1 = arith.constant 0 : i32
    return %arg0, %c0_i32, %c0_i32_0 : i32, i32, i32
  }
  func.func @transform_3(%arg0: i32) -> (i32, i32) {
    %c0_i32 = arith.constant 0 : i32
    %c0_i32_0 = arith.constant 0 : i32
    %c0_i32_1 = arith.constant 0 : i32
    return %c0_i32, %c0_i32_0 : i32, i32
  }
  func.func @transform_4(%arg0: i32) -> (i32, i32) {
    %c0_i32 = arith.constant 0 : i32
    %c0_i32_0 = arith.constant 0 : i32
    %c0_i32_1 = arith.constant 0 : i32
    return %c0_i32, %c0_i32_0 : i32, i32
  }
  func.func @transform_5(%arg0: i32) -> (i32, i32) {
    %c0_i32 = arith.constant 0 : i32
    %c0_i32_0 = arith.constant 0 : i32
    %c0_i32_1 = arith.constant 0 : i32
    return %c0_i32, %c0_i32_0 : i32, i32
  }
  func.func @transform_6(%arg0: i32) -> (i32, i32, i32) {
    %c0_i32 = arith.constant 0 : i32
    %c0_i32_0 = arith.constant 0 : i32
    %c0_i32_1 = arith.constant 0 : i32
    return %arg0, %c0_i32, %c0_i32_0 : i32, i32, i32
  }
}

module attributes {stable_mosaic.version = 14 : i64} {
  func.func @_tc_nodes_body(%arg0: i32, %arg1: memref<1x2048x128xf32, #tpu.memory_space<vmem>>, %arg2: memref<1x128x128xf32, #tpu.memory_space<vmem>>, %arg3: memref<1x2048x128xf32, #tpu.memory_space<vmem>>, %arg4: memref<1x1024x128xbf16, #tpu.memory_space<vmem>>) attributes {dimension_semantics = [#tpu.dimension_semantics<arbitrary>], iteration_bounds = array<i64: 8>, scalar_prefetch = 0 : i64, scratch_operands = 0 : i64, tpu.core_type = #tpu.core_type<tc>, window_params = [{transform_indices = @transform_0, window_bounds = array<i64: 1, 2048, 128>}, {transform_indices = @transform_1, window_bounds = array<i64: 1, 128, 128>}, {transform_indices = @transform_2, window_bounds = array<i64: 1, 2048, 128>}, {transform_indices = @transform_3, window_bounds = array<i64: 1, 1024, 128>}]} {
    %get3A = arith.constant 0 : index
    %get3A_0 = arith.constant 0 : index
    %get3A_1 = arith.constant 0 : index
    %get3A_2 = vector.load %arg1[%get3A, %get3A_0, %get3A_1] : memref<1x2048x128xf32, #tpu.memory_space<vmem>>, vector<1x2048x128xf32>
    %get3A_3 = vector.shape_cast %get3A_2 : vector<1x2048x128xf32> to vector<2048x128xf32>
    %swap3A = arith.constant 0 : index
    %swap3A_4 = arith.constant 0 : index
    %swap3A_5 = arith.constant 0 : index
    %swap3A_6 = vector.load %arg3[%swap3A, %swap3A_4, %swap3A_5] : memref<1x2048x128xf32, #tpu.memory_space<vmem>>, vector<1x2048x128xf32>
    %swap3A_7 = vector.shape_cast %swap3A_6 : vector<1x2048x128xf32> to vector<2048x128xf32>
    %swap3A_8 = vector.shape_cast %get3A_3 : vector<2048x128xf32> to vector<1x2048x128xf32>
    tpu.vector_store %arg3[%swap3A, %swap3A_4, %swap3A_5], %swap3A_8 {strides = array<i32>} : memref<1x2048x128xf32, #tpu.memory_space<vmem>>, vector<1x2048x128xf32>,
    %get3A_9 = arith.constant 0 : index
    %get3A_10 = arith.constant 0 : index
    %get3A_11 = arith.constant 0 : index
    %get3A_12 = vector.load %arg2[%get3A_9, %get3A_10, %get3A_11] : memref<1x128x128xf32, #tpu.memory_space<vmem>>, vector<1x128x128xf32>
    %get3A_13 = vector.shape_cast %get3A_12 : vector<1x128x128xf32> to vector<128x128xf32>
    %swap3A_14 = arith.constant 0 : index
    %swap3A_15 = arith.constant 1024 : index
    %swap3A_16 = arith.constant 0 : index
    %swap3A_17 = vector.load %arg3[%swap3A_14, %swap3A_15, %swap3A_16] : memref<1x2048x128xf32, #tpu.memory_space<vmem>>, vector<1x128x128xf32>
    %swap3A_18 = vector.shape_cast %swap3A_17 : vector<1x128x128xf32> to vector<128x128xf32>
    %swap3A_19 = vector.shape_cast %get3A_13 : vector<128x128xf32> to vector<1x128x128xf32>
    tpu.vector_store %arg3[%swap3A_14, %swap3A_15, %swap3A_16], %swap3A_19 {strides = array<i32>} : memref<1x2048x128xf32, #tpu.memory_space<vmem>>, vector<1x128x128xf32>,
    %get3A_20 = arith.constant 0 : index
    %get3A_21 = arith.constant 0 : index
    %get3A_22 = arith.constant 0 : index
    %get3A_23 = vector.load %arg1[%get3A_20, %get3A_21, %get3A_22] : memref<1x2048x128xf32, #tpu.memory_space<vmem>>, vector<1x1024x128xf32>
    %get3A_24 = vector.shape_cast %get3A_23 : vector<1x1024x128xf32> to vector<1024x128xf32>
    %convert_element_type3A = arith.truncf %get3A_24 : vector<1024x128xf32> to vector<1024x128xbf16>
    %swap3A_25 = arith.constant 0 : index
    %swap3A_26 = arith.constant 0 : index
    %swap3A_27 = arith.constant 0 : index
    %swap3A_28 = vector.load %arg4[%swap3A_25, %swap3A_26, %swap3A_27] : memref<1x1024x128xbf16, #tpu.memory_space<vmem>>, vector<1x1024x128xbf16>
    %swap3A_29 = vector.shape_cast %swap3A_28 : vector<1x1024x128xbf16> to vector<1024x128xbf16>
    %swap3A_30 = vector.shape_cast %convert_element_type3A : vector<1024x128xbf16> to vector<1x1024x128xbf16>
    tpu.vector_store %arg4[%swap3A_25, %swap3A_26, %swap3A_27], %swap3A_30 {strides = array<i32>} : memref<1x1024x128xbf16, #tpu.memory_space<vmem>>, vector<1x1024x128xbf16>,
    return
  }
  func.func @transform_0(%arg0: i32) -> (i32, i32, i32) {
    %c0_i32 = arith.constant 0 : i32
    %c0_i32_0 = arith.constant 0 : i32
    %c0_i32_1 = arith.constant 0 : i32
    return %arg0, %c0_i32, %c0_i32_0 : i32, i32, i32
  }
  func.func @transform_1(%arg0: i32) -> (i32, i32, i32) {
    %c0_i32 = arith.constant 0 : i32
    %c0_i32_0 = arith.constant 0 : i32
    %c0_i32_1 = arith.constant 0 : i32
    return %arg0, %c0_i32, %c0_i32_0 : i32, i32, i32
  }
  func.func @transform_2(%arg0: i32) -> (i32, i32, i32) {
    %c0_i32 = arith.constant 0 : i32
    %c0_i32_0 = arith.constant 0 : i32
    %c0_i32_1 = arith.constant 0 : i32
    return %arg0, %c0_i32, %c0_i32_0 : i32, i32, i32
  }
  func.func @transform_3(%arg0: i32) -> (i32, i32, i32) {
    %c0_i32 = arith.constant 0 : i32
    %c0_i32_0 = arith.constant 0 : i32
    %c0_i32_1 = arith.constant 0 : i32
    return %arg0, %c0_i32, %c0_i32_0 : i32, i32, i32
  }
}

</mosaic_0001>

<sc_bundles>
// kernel: kernel.5.cloned.1.call-start
scs
__scs_entry_jumppad:
0x0: {  	(pc) =	sbr.rel $0x88, $3  }
0x1: {  	(tag) =	ssettag $0x0;
	lr =	simm.s32 $0x1  }
0x2: {  	[smem:$0x3F99] =	sst lr;
	_ =	strace $0xD0000000  }
0x3: {  	_ = 	snop  }
0x4: {  	_ = 	snop  }
0x5: {  	_ = 	snop  }
0x6: {  	_ = 	snop  }
0x7: {  	_ = 	snop  }
__scs_overlays_trampoline_lowered:
0x8: {  	[smem:$0x3FA8] =	sst s0  }
0x9: {  	[smem:$0x3FA9] =	sst s1  }
0xa: {  	[smem:$0x3FAA] =	sst s2  }
0xb: {  	[smem:$0x3FAB] =	sst s3  }
0xc: {  	[smem:$0x3FAC] =	sst s4  }
0xd: {  	[smem:$0x3FAD] =	sst s5  }
0xe: {  	[smem:$0x3FAE] =	sst s6  }
0xf: {  	[smem:$0x3FAF] =	sst s7  }
0x10: {  	[smem:$0x3FB0] =	sst s8  }
0x11: {  	[smem:$0x3FB1] =	sst s9;
	s0 =	simm.s32 @!p0 $0x0  }
0x12: {  	s1 =	sld [smem:$0x3F97];
	s0 =	simm.s32 @p0 $0x1  }
0x13: {  	[smem:$0x3FB2] =	sst s0;
	s0 =	simm.s32 @!p1 $0x0  }
0x14: {  	s2 =	sld [smem:$0x3F96];
	s0 =	simm.s32 @p1 $0x1  }
0x15: {  	[smem:$0x3FB3] =	sst s0;
	s0 =	simm.s32 @!p2 $0x0  }
0x16: {  	s3 =	sld [smem:$0x3FDB];
	s0 =	simm.s32 @p2 $0x1  }
0x17: {  	s4 =	simm.s32 $0x1BF5;
	[smem:$0x3FB5] =	sst s0  }
0x18: {  	s0 =	sld [smem:$0x3F98];
	_ =	swait.ge [sflag:s4], $0x0  }
0x19: {  	s7 =	sld [smem:$0x3F99]  }
0x1a: {  	s8 =	sadd.s32 $0xFFFFE003, lr  }
0x1b: {  	s9 =	sadd.s32 $0xFFFFFEF7, lr;
	s5 =	simm.s32 $0xFFFFFFFF;
	p2 =	slt.u32 s8, $0xFFFFF086  }
0x1c: {  	p1 =	slt.u32 s9, $0xF7A;
	s5 =	simm.s32 @!p2 $0x0  }
0x1d: {  	s5 =	simm.s32 @p1 $0x1;
	p0 =	seq.s32 s7, s2  }
0x1e: {  	s7 =	smul.u32 @!p0 $0xF7A, s2;
	p2 =	seq.s32 @!p0 s5, $0x0  }
0x1f: {  	s9 =	smul.u32 $0xF7A, s1;
	s8 =	simm.s32 @!p0 $0x1BF5;
	p2 =	por !p2, p0  }
0x20: {  	[sflag:s8] =	ssyncset.s32 @!p0 $0xFFFFF086;
	s6 =	sadd.s32 @!p0 s3, s7;
	s7 =	simm.s32 @!p0 $0x108  }
0x21: {  	s3 =	sadd.s32 s3, s9;
	s6 =	sadd.s32 @!p0 $0x88, s6;
	s7 =	simm.s32 @p2 $0x1082  }
0x22: {  	[simem:s7], [sflag:s8] =	dma.local @!p0 [hbm:s6], $0xF7A  }
0x23: {  	s9 =	sor.u32 $0xD0000000, s2;
	s6 =	simm.s32 $0x108;
	_ =	swait.ge @!p0 [sflag:s8], $0x0  }
0x24: {  	s3 =	sadd.s32 $0x88, s3;
	s6 =	simm.s32 @!p1 $0x1082;
	[sflag:s4] =	ssyncset.s32 $0xFFFFF086  }
0x25: {  	[simem:s6], [sflag:s4] =	dma.local [hbm:s3], $0xF7A  }
0x26: {  	[smem:$0x3F99] =	sst s1;
	(tag) =	ssettag s2;
	_ =	strace s9  }
0x27: {  	s1 =	sld [smem:$0x3FA9]  }
0x28: {  	s2 =	sld [smem:$0x3FAA]  }
0x29: {  	s4 =	sld [smem:$0x3FAC]  }
0x2a: {  	p0 =	seq.s32 s5, $0x0;
	s5 =	sld [smem:$0x3FAD]  }
0x2b: {  	s6 =	sld [smem:$0x3FAE]  }
0x2c: {  	s7 =	sld [smem:$0x3FAF]  }
0x2d: {  	s3 =	simm.s32 $0x108;
	s8 =	sld [smem:$0x3FB0]  }
0x2e: {  	s3 =	simm.s32 @!p0 $0x1082;
	s9 =	sld [smem:$0x3FB1]  }
0x2f: {  	lr =	sadd.s32 s0, s3;
	s0 =	sld [smem:$0x3FA8]  }
0x30: {  	s3 =	sld [smem:$0x3FAB]  }
0x31: {  	[smem:$0x3FB4] =	sst s10  }
0x32: {  	s10 =	sld [smem:$0x3FB2];
	_ =	sdelay $0x3  }
0x33: {  	p0 =	seq.s32 s10, $0x1;
	s10 =	sld [smem:$0x3FB4];
	_ =	sdelay $0x3  }
0x34: {  	[smem:$0x3FB4] =	sst s10  }
0x35: {  	s10 =	sld [smem:$0x3FB3];
	_ =	sdelay $0x3  }
0x36: {  	p1 =	seq.s32 s10, $0x1;
	s10 =	sld [smem:$0x3FB4];
	_ =	sdelay $0x3  }
0x37: {  	[smem:$0x3FB4] =	sst s10  }
0x38: {  	s10 =	sld [smem:$0x3FB5]  }
0x39: {  	_ = 	snop;
	(pc) =	sbr.ind lr, $3  }
0x3a: {  	_ = 	snop  }
0x3b: {  	_ = 	snop  }
0x3c: {  	p2 =	seq.s32 s10, $0x1;
	s10 =	sld [smem:$0x3FB4]  }
0x3d: {  	_ =	shalt  }
0x3e: {  	_ =	shalt  }
0x3f: {  	_ =	shalt  }
0x40: {  	_ =	shalt  }
0x41: {  	_ =	shalt  }
0x42: {  	_ =	shalt  }
0x43: {  	_ =	shalt  }
0x44: {  	_ =	shalt  }
0x45: {  	_ =	shalt  }
0x46: {  	_ =	shalt  }
0x47: {  	_ =	shalt  }
0x48: {  	_ =	shalt  }
0x49: {  	_ =	shalt  }
0x4a: {  	_ =	shalt  }
0x4b: {  	_ =	shalt  }
0x4c: {  	_ =	shalt  }
0x4d: {  	_ =	shalt  }
0x4e: {  	_ =	shalt  }
0x4f: {  	_ =	shalt  }
0x50: {  	_ =	shalt  }
0x51: {  	_ =	shalt  }
0x52: {  	_ =	shalt  }
0x53: {  	_ =	shalt  }
0x54: {  	_ =	shalt  }
0x55: {  	_ =	shalt  }
0x56: {  	_ =	shalt  }
0x57: {  	_ =	shalt  }
0x58: {  	_ =	shalt  }
0x59: {  	_ =	shalt  }
0x5a: {  	_ =	shalt  }
0x5b: {  	_ =	shalt  }
0x5c: {  	_ =	shalt  }
0x5d: {  	_ =	shalt  }
0x5e: {  	_ =	shalt  }
0x5f: {  	_ =	shalt  }
0x60: {  	_ =	shalt  }
0x61: {  	_ =	shalt  }
0x62: {  	_ =	shalt  }
0x63: {  	_ =	shalt  }
0x64: {  	_ =	shalt  }
0x65: {  	_ =	shalt  }
0x66: {  	_ =	shalt  }
0x67: {  	_ =	shalt  }
0x68: {  	_ =	shalt  }
0x69: {  	_ =	shalt  }
0x6a: {  	_ =	shalt  }
0x6b: {  	_ =	shalt  }
0x6c: {  	_ =	shalt  }
0x6d: {  	_ =	shalt  }
0x6e: {  	_ =	shalt  }
0x6f: {  	_ =	shalt  }
0x70: {  	_ =	shalt  }
0x71: {  	_ =	shalt  }
0x72: {  	_ =	shalt  }
0x73: {  	_ =	shalt  }
0x74: {  	_ =	shalt  }
0x75: {  	_ =	shalt  }
0x76: {  	_ =	shalt  }
0x77: {  	_ =	shalt  }
0x78: {  	_ =	shalt  }
0x79: {  	_ =	shalt  }
0x7a: {  	_ =	shalt  }
0x7b: {  	_ =	shalt  }
0x7c: {  	_ =	shalt  }
0x7d: {  	_ =	shalt  }
0x7e: {  	_ =	shalt  }
0x7f: {  	_ =	shalt  }
0x80: {  	_ =	shalt  }
0x81: {  	_ =	shalt  }
0x82: {  	_ =	shalt  }
0x83: {  	_ =	shalt  }
0x84: {  	_ =	shalt  }
0x85: {  	_ =	shalt  }
0x86: {  	_ =	shalt  }
0x87: {  	_ =	shalt  }
.Lfunc_end0:
.L_simem_size_0:
called_computation_lowered:
.L_overlay_start_0:
0x88: {  	s2 =	sld [smem:$0x3FD9]  }
0x89: {  	s3 =	sld [smem:$0x3FFE];
	_ =	sdelay $0x1  }
0x8a: {  	s1 =	srdreg.scid  }
0x8b: {  	s0 =	sand.u32 $0x1, s1  }
0x8c: {  	s17 =	sshll.u32 s0, $0xA;
	s2 =	sadd.s32 s3, s2  }
0x8d: {  	s2 =	sadd.s32 s2, s17  }
0x8e: {  	[smem:$0x3FC0] =	sst s2  }
0x8f: {  	_ = 	snop  }
0x90: {  	s2 =	sld [smem:$0x3FC6];
	(tm) =	ssettm $0x1  }
0x91: {  	s18 =	sld [smem:$0x3FFB];
	_ =	sdelay $0x3  }
0x92: {  	_ =	strace s18  }
0x93: {  	s3 =	sld [smem:$0x3FFC];
	_ =	sdelay $0x3  }
0x94: {  	_ =	strace s3  }
0x95: {  	s3 =	sld [smem:$0x3FFD];
	_ =	sdelay $0x3  }
0x96: {  	_ =	strace s3  }
0x97: {  	_ =	strace $0x8FFFFFFF  }
0x98: {  	s19 =	sld [smem:$0x3FDB];
	_ =	sdelay $0x1  }
0x99: {  	s4 =	simm.s32 $_scs_section_size  }
0x9a: {  	s5 =	simm.s32 $_size__tile_overlayer_lowered;
	s6 =	simm.s32 $_tile_overlayer_lowered  }
0x9b: {  	s22 =	simm.s32 $0x1BFF;
	s21 =	sshll.u32 s6, $0x1;
	s3 =	sadd.s32 s4, s19  }
0x9c: {  	s7 =	simm.s32 $0x0;
	s20 =	sshll.u32 s5, $0x1;
	s5 =	sadd.s32 s21, s3  }
0x9d: {  	[timem:s7], [sflag:s22] =	dma.local [hbm:s5], s20  }
0x9e: {  	_ =	swait.ge [sflag:s22], s20  }
0x9f: {  	s4 =	ssub.s32 $0x0, s20;
	[sflag:s22] =	ssyncset.done $0x0  }
0xa0: {  	[sflag:s22] =	ssyncadd.s32 s4;
	_ =	sdelay $0x1  }
0xa1: {  	s23 =	simm.s32 $0x1B8B  }
0xa2: {  	_ =	swait.ge [sflag:s23], $0x1  }
0xa3: {  	[sflag:s23] =	ssyncset.done $0x0  }
0xa4: {  	s25 =	simm.s32 $0x1B8E;
	s24 =	sld [smem:$0x3FFE];
	[sflag:s23] =	ssyncadd.s32 $0xFFFFFFFF  }
0xa5: {  	s26 =	simm.s32 $execute0_lowered;
	[smem:$0x3FD2] =	sst s25  }
0xa6: {  	s5 =	sshll.u32 s26, $0x1;
	_ =	strace $0x80000046;
	[dreg:$0x1] =	wrdreg $0xFFFFFFFF  }
0xa7: {  	s28 =	simm.s32 $_size_execute0_lowered;
	s3 =	sadd.s32 s3, s5;
	[dreg:$0x0] =	wrdreg $0x0  }
0xa8: {  	s5 =	sshll.u32 s28, $0x1;
	[dreg:$0x2] =	wrdreg s3  }
0xa9: {  	[dreg:$0x3] =	wrdreg s5  }
0xaa: {  	[dreg:$0x4] =	wrdreg $0xC0  }
0xab: {  	_ =	task [dreg:s7], $0x5FFFF  }
0xac: {  	[dreg:$0x1] =	wrdreg $0xFFFFFFFF  }
0xad: {  	[dreg:$0x0] =	wrdreg $0x60  }
0xae: {  	[dreg:$0x2] =	wrdreg s2  }
0xaf: {  	[dreg:$0x3] =	wrdreg s24  }
0xb0: {  	[dreg:$0x4] =	wrdreg $0x0  }
0xb1: {  	[dreg:$0x5] =	wrdreg $0x9  }
0xb2: {  	_ =	task.clear_ibuf [dreg:s7], $0x6FFFF;
	_ =	strace $0x90000046  }
0xb3: {  	s29 =	simm.s32 $0x9;
	_ =	strace $0x80000048  }
0xb4: {  	_ =	swait.ge [sflag:s29], $0x1  }
0xb5: {  	[sflag:s29] =	ssyncadd.s32 $0xFFFFFFFF  }
0xb6: {  	_ =	strace $0x90000048  }
0xb7: {  	_ =	sfence  }
0xb8: {  	s30 =	sld [smem:$0x0];
	_ =	sdelay $0x2  }
0xb9: {  	s31 =	sshll.u32 s1, $0xD;
	s1 =	sshrl.u32 s1, $0x2  }
0xba: {  	s3 =	sand.u32 $0x4000, s31;
	s1 =	sadd.s32 s1, s30  }
0xbb: {  	s0 =	sor.u32 s3, s0;
	s1 =	sshll.u32 s1, $0x11  }
0xbc: {  	s0 =	sor.u32 s1, s0  }
0xbd: {  	s0 =	sadd.s32 $0x8F2B, s0  }
0xbe: {  	[sflag:s0] =	ssyncadd.remote.s32 $0x1  }
0xbf: {  	_ =	sfence.sel $0xFFFF  }
0xc0: {  	[dreg:$0x0] =	wrdreg $0xFFFFFFFF;
	(pc) =	sbr.abs _section_cstart, $3  }
0xc1: {  	[dreg:$0x1] =	wrdreg $0xFFFFFFFF  }
0xc2: {  	_ =	task.clear_ibuf [dreg:s7], $0x2FFFF;
	_ =	strace $0x9FFFFFFF  }
0xc3: {  	(tm) =	ssettm $0x7FFFFFFF  }
tec
execute0_lowered:
.L_overlay_start_1:
0x0: {  	(tag) =	ssettag $0x1  }
0x1: {  	s4 =	rddreg [dreg:$0x0]  }
0x2: {  	s5 =	rddreg [dreg:$0x1]  }
0x3: {  	s2 =	rddreg [dreg:$0x2];
	s3 =	srdreg.scid  }
0x4: {  	s0 =	rddreg [dreg:$0x3];
	s1 =	stileid.u32;
	s13 =	simm.s32 $0xB400  }
0x5: {  	s14 =	simm.s32 $0x12000;
	s15 =	simm.s32 $0x2;
	s16 =	simm.s32 $0x2400  }
0x6: {  	s18 =	simm.s32 $0xFC00;
	s19 =	simm.s32 $0x3;
	s6 =	sand.u32 $0x1, s3  }
0x7: {  	s3 =	simm.s32 $0x0;
	s8 =	sshll.u32 s1, $0x5;
	s26 =	sand.u32 $0x3, s1  }
0x8: {  	s29 =	smul.u32 $0x24000, s1;
	s7 =	sshll.u32 s6, $0x9;
	[smem:$0x7FF] =	sst s3  }
0x9: {  	s25 =	sshll.u32 s6, $0x4;
	s9 =	ssub.s32 $0x2, s6;
	p1 =	sne.s32 s26, $0x0  }
0xa: {  	s6 =	sshll.u32 s6, $0x2;
	s7 =	sor.u32 s8, s7;
	s8 =	sor.u32 s1, s25  }
0xb: {  	_ =	strace $0x80000047;
	s10 =	sshrl.u32 s9, $0x1;
	s7 =	smul.u32 $0x90, s7  }
0xc: {  	s31 =	sshrl.u32 s29, $0x2;
	s11 =	smul.u32 $0x1200, s8;
	p0 =	seq.s32 s8, $0x0  }
0xd: {  	s9 =	ssub.s32 s9, s10;
	s30 =	sshrl.u32 s8, $0x2;
	p0 =	por !p1, !p0  }
0xe: {  	s8 =	simm.s32 $0x1;
	s10 =	simm.s32 $0x80;
	p0 =	por !p0, !p0  }
0xf: {  	s6 =	ssub.s32 s30, s6;
	s9 =	smax.u32 s9, $0x1;
	s8 =	simm.s32 @!p0 $0x0  }
0x10: {  	s12 =	sadd.s32 s7, s5;
	s28 =	sadd.s32 s11, s4;
	s8 =	ssub.s32 s6, s8  }
0x11: {  	s7 =	simm.s32 $0x1;
	s11 =	simm.s32 $0x200;
	s17 =	smul.u32 $0x480, s8  }
0x12: {  	s4 =	sadd.s32 $0x10, s28;
	s5 =	sadd.s32 $0x20, s28;
	s6 =	sadd.s32 s31, s2  }
0x13: {  	v1 =	vimm.f32 $0.0e+00;
	v2 =	vimm.f32 $1.000000000e+00;
	s8 =	sadd.s32 $0x1600, s12;
	s12 =	simm.s32 $0x9000;
	v0 =	vmov s17;
	s17 =	simm.s32 $0xD800  }
.LBB2_1:
0x14: {  	[tilespmem:s12], [sflag:$0x1] =	stream.strided.gather [hbm4b:s4+s10], $0x2400, s11, s10, $0x38;
	[tilespmem:$0x1B000] =	vst v63  }
0x15: {  	s20 =	simm.s32 $0x0;
	s21 =	simm.s32 $0x200  }
0x16: {  	[tilespmem:s13], [sflag:$0x1] =	stream.strided.gather [hbm4b:s5+s10], $0x2400, s11, s10, $0x38;
	[tilespmem:$0x1B000] =	vst v63  }
.LBB2_2:
0x17: {  	p0 =	sne.s32 s21, $0x23E00;
	[tilespmem:s20+$0x12070] =	vst v1  }
0x18: {  	[tilespmem:s20+$0x12000] =	vst v1  }
0x19: {  	[tilespmem:s20+$0x12010] =	vst v1  }
.Ltmp0:
0x1a: {  	[tilespmem:s20+$0x12020] =	vst v1;
	(pc) =	sbr.rel @p0 .LBB2_2-.Ltmp0, $4  }
0x1b: {  	[tilespmem:s20+$0x12030] =	vst v1  }
0x1c: {  	[tilespmem:s20+$0x12040] =	vst v1  }
0x1d: {  	[tilespmem:s20+$0x12050] =	vst v1  }
0x1e: {  	[tilespmem:s20+$0x12060] =	vst v1;
	s20 =	sshra.s32 s21, $0x2;
	s21 =	sadd.s32 $0x200, s21  }
0x1f: {  	[tilespmem:s20+$0x12070] =	vst v1  }
0x20: {  	[tilespmem:s20+$0x12000] =	vst v1  }
0x21: {  	[tilespmem:s20+$0x12010] =	vst v1  }
0x22: {  	[tilespmem:s20+$0x12020] =	vst v1  }
0x23: {  	[tilespmem:s20+$0x12030] =	vst v1  }
0x24: {  	[tilespmem:s20+$0x12040] =	vst v1  }
0x25: {  	[tilespmem:s20+$0x12050] =	vst v1  }
0x26: {  	[tilespmem:s20+$0x12060] =	vst v1;
	s20 =	simm.s32 $0x0;
	s21 =	simm.s32 $0x200  }
.LBB2_4:
0x27: {  	p0 =	sne.s32 s21, $0x8E00;
	[tilespmem:s20+$0xFC70] =	vst v2  }
0x28: {  	[tilespmem:s20+$0xFC00] =	vst v2  }
0x29: {  	[tilespmem:s20+$0xFC10] =	vst v2  }
.Ltmp1:
0x2a: {  	[tilespmem:s20+$0xFC20] =	vst v2;
	(pc) =	sbr.rel @p0 .LBB2_4-.Ltmp1, $4  }
0x2b: {  	[tilespmem:s20+$0xFC30] =	vst v2  }
0x2c: {  	[tilespmem:s20+$0xFC40] =	vst v2  }
0x2d: {  	[tilespmem:s20+$0xFC50] =	vst v2  }
0x2e: {  	[tilespmem:s20+$0xFC60] =	vst v2;
	s20 =	sshra.s32 s21, $0x2;
	s21 =	sadd.s32 $0x200, s21  }
0x2f: {  	[tilespmem:s20+$0xFC70] =	vst v2  }
0x30: {  	[tilespmem:s20+$0xFC00] =	vst v2  }
0x31: {  	[tilespmem:s20+$0xFC10] =	vst v2  }
0x32: {  	[tilespmem:s20+$0xFC20] =	vst v2  }
0x33: {  	[tilespmem:s20+$0xFC30] =	vst v2  }
0x34: {  	[tilespmem:s20+$0xFC40] =	vst v2  }
0x35: {  	[tilespmem:s20+$0xFC50] =	vst v2  }
0x36: {  	[tilespmem:s20+$0xFC60] =	vst v2  }
0x37: {  	[spmem:s6] =	stream.linear.scatter [tilespmem:s14], [sflag:$0x2], $0x9000, $0x38;
	[tilespmem:$0x1B000] =	vst v63  }
0x38: {  	_ =	swait.ge [sflag:s7], $0x2400  }
0x39: {  	[sflag:s7] =	ssyncset.done $0x0  }
0x3a: {  	[sflag:s7] =	ssyncadd.s32 $0xFFFFDC00  }
0x3b: {  	_ =	swait.ge [sflag:s7], $0x2400  }
0x3c: {  	[sflag:s7] =	ssyncset.done $0x0  }
0x3d: {  	s20 =	simm.s32 $0x0;
	[sflag:s7] =	ssyncadd.s32 $0xFFFFDC00  }
0x3e: {  	v8 =	vld [tilespmem:s20+$0x9070]  }
0x3f: {  	v9 =	vld [tilespmem:s20+$0xB470]  }
0x40: {  	v7 =	vld [tilespmem:s20+$0x9000]  }
0x41: {  	v3 =	vld [tilespmem:s20+$0x9020]  }
0x42: {  	v5 =	vld [tilespmem:s20+$0x9040]  }
0x43: {  	v14 =	vld [tilespmem:s20+$0xB400]  }
0x44: {  	v10 =	vld [tilespmem:s20+$0x9010]  }
0x45: {  	v4 =	vld [tilespmem:s20+$0x9030];
	v6 =	vand.u32 $0x7F, v8;
	v11 =	vand.u32 $0x1FFFF80, v9;
	v13 =	vand.u32 $0x7F, v7  }
0x46: {  	vm0 =	vgt.s32 v7, $0x3FF;
	v9 =	vand.u32 $0x7F, v9;
	v12 =	vor.u32 v0, v6;
	v6 =	vld [tilespmem:s20+$0x9050]  }
0x47: {  	v7 =	vld [tilespmem:s20+$0x9060];
	v15 =	vand.u32 $0x7F, v3;
	vm1 =	vgt.s32 v8, $0x3FF;
	v11 =	vadd.s32 v11, v12  }
0x48: {  	v16 =	vld [tilespmem:s20+$0xB420];
	v17 =	vand.u32 $0x7F, v5;
	v21 =	vand.u32 $0x7F, v14;
	v11 =	vshll.u32 v11, $0x7  }
0x49: {  	v8 =	vld [tilespmem:s20+$0xB410];
	v15 =	vor.u32 v0, v15;
	v12 =	vand.u32 $0x7F, v10;
	v9 =	vor.u32 v9, v11  }
0x4a: {  	v18 =	vld [tilespmem:s20+$0xB430];
	v17 =	vor.u32 v0, v17;
	v12 =	vor.u32 v0, v12;
	v9 =	vnsel vm1, $0xFFFFFFFF, v9  }
0x4b: {  	v19 =	vld [tilespmem:s20+$0xB440];
	v11 =	vor.u32 v0, v13;
	v13 =	vand.u32 $0x7F, v4;
	[tilespmem:s20+$0xD870] =	vst v9;
	v9 =	vand.u32 $0x7F, v6  }
0x4c: {  	v13 =	vor.u32 v0, v13;
	v20 =	vor.u32 v0, v9;
	v9 =	vand.u32 $0x7F, v7  }
0x4d: {  	v22 =	vld [tilespmem:s20+$0xB450];
	vm1 =	vgt.s32 v10, $0x3FF;
	v10 =	vand.u32 $0x1FFFF80, v14;
	v14 =	vor.u32 v0, v9  }
0x4e: {  	v23 =	vld [tilespmem:s20+$0xB460];
	v9 =	vadd.s32 v10, v11;
	v10 =	vand.u32 $0x1FFFF80, v8;
	v8 =	vand.u32 $0x7F, v8  }
0x4f: {  	v11 =	vand.u32 $0x1FFFF80, v18;
	v24 =	vshll.u32 v9, $0x7;
	v9 =	vadd.s32 v10, v12  }
0x50: {  	v10 =	vand.u32 $0x1FFFF80, v16;
	v11 =	vadd.s32 v11, v13;
	v13 =	vand.u32 $0x1FFFF80, v19  }
0x51: {  	v16 =	vand.u32 $0x7F, v16;
	v9 =	vshll.u32 v9, $0x7;
	v10 =	vadd.s32 v10, v15  }
0x52: {  	v12 =	vshll.u32 v11, $0x7;
	v11 =	vadd.s32 v13, v17;
	v13 =	vand.u32 $0x1FFFF80, v22  }
0x53: {  	v15 =	vand.u32 $0x1FFFF80, v23;
	v17 =	vand.u32 $0x7F, v18;
	v18 =	vand.u32 $0x7F, v22  }
0x54: {  	v10 =	vshll.u32 v10, $0x7;
	v11 =	vshll.u32 v11, $0x7;
	v13 =	vadd.s32 v13, v20  }
0x55: {  	v14 =	vadd.s32 v15, v14;
	v15 =	vand.u32 $0x7F, v19;
	v20 =	vor.u32 v21, v24  }
0x56: {  	s21 =	simm.s32 $0x80;
	s22 =	simm.s32 $0x400;
	v19 =	vand.u32 $0x7F, v23;
	v13 =	vshll.u32 v13, $0x7;
	v14 =	vshll.u32 v14, $0x7  }
.LBB2_6:
0x57: {  	p0 =	sne.s32 s22, $0x8E00;
	v21 =	vld [tilespmem:s21+$0x9070];
	v8 =	vor.u32 v8, v9;
	v9 =	vor.u32 v16, v10;
	v10 =	vor.u32 v17, v12  }
0x58: {  	v11 =	vor.u32 v15, v11;
	v13 =	vor.u32 v18, v13;
	v14 =	vor.u32 v19, v14;
	v12 =	vld [tilespmem:s21+$0xB470]  }
0x59: {  	vm2 =	vgt.s32 v3, $0x3FF;
	vm3 =	vgt.s32 v4, $0x3FF;
	vm4 =	vgt.s32 v5, $0x3FF;
	v15 =	vld [tilespmem:s21+$0x9000]  }
0x5a: {  	v4 =	vnsel vm0, $0xFFFFFFFF, v20;
	vm0 =	vgt.s32 v6, $0x3FF;
	vm5 =	vgt.s32 v7, $0x3FF;
	v16 =	vld [tilespmem:s21+$0x9010]  }
0x5b: {  	v5 =	vnsel vm1, $0xFFFFFFFF, v8;
	v6 =	vnsel vm2, $0xFFFFFFFF, v9;
	v7 =	vnsel vm3, $0xFFFFFFFF, v10;
	v3 =	vld [tilespmem:s21+$0x9020];
	[tilespmem:s20+$0xD800] =	vst v4  }
0x5c: {  	v9 =	vnsel vm4, $0xFFFFFFFF, v11;
	v10 =	vnsel vm0, $0xFFFFFFFF, v13;
	v4 =	vld [tilespmem:s21+$0x9030];
	v8 =	vand.u32 $0x7F, v21;
	[tilespmem:s20+$0xD810] =	vst v5  }
0x5d: {  	v13 =	vnsel vm5, $0xFFFFFFFF, v14;
	v5 =	vld [tilespmem:s21+$0x9040];
	v11 =	vand.u32 $0x1FFFF80, v12;
	v8 =	vor.u32 v0, v8;
	[tilespmem:s20+$0xD820] =	vst v6  }
0x5e: {  	v14 =	vand.u32 $0x7F, v15;
	vm0 =	vgt.s32 v15, $0x3FF;
	v6 =	vld [tilespmem:s21+$0x9050];
	v8 =	vadd.s32 v11, v8;
	[tilespmem:s20+$0xD830] =	vst v7  }
0x5f: {  	v12 =	vand.u32 $0x7F, v12;
	v11 =	vand.u32 $0x7F, v16;
	v7 =	vld [tilespmem:s21+$0x9060];
	v8 =	vshll.u32 v8, $0x7;
	[tilespmem:s20+$0xD840] =	vst v9  }
0x60: {  	vm1 =	vgt.s32 v21, $0x3FF;
	v9 =	vld [tilespmem:s21+$0xB400];
	v15 =	vand.u32 $0x7F, v3;
	v8 =	vor.u32 v12, v8;
	[tilespmem:s20+$0xD850] =	vst v10  }
0x61: {  	v10 =	vor.u32 v0, v14;
	v12 =	vld [tilespmem:s21+$0xB410];
	v14 =	vand.u32 $0x7F, v4;
	v8 =	vnsel vm1, $0xFFFFFFFF, v8;
	[tilespmem:s20+$0xD860] =	vst v13;
	s20 =	smov.u32 s21  }
0x62: {  	v11 =	vor.u32 v0, v11;
	v15 =	vor.u32 v0, v15;
	v13 =	vld [tilespmem:s20+$0xB420];
	v17 =	vand.u32 $0x7F, v5;
	[tilespmem:s20+$0xD870] =	vst v8  }
0x63: {  	v14 =	vor.u32 v0, v14;
	v18 =	vld [tilespmem:s20+$0xB430];
	v17 =	vor.u32 v0, v17;
	v8 =	vand.u32 $0x7F, v6  }
0x64: {  	vm1 =	vgt.s32 v16, $0x3FF;
	v19 =	vld [tilespmem:s20+$0xB440];
	v16 =	vor.u32 v0, v8;
	v8 =	vand.u32 $0x7F, v7  }
0x65: {  	v20 =	vand.u32 $0x1FFFF80, v9;
	v21 =	vand.u32 $0x7F, v9;
	v22 =	vld [tilespmem:s20+$0xB450];
	v23 =	vor.u32 v0, v8  }
0x66: {  	v9 =	vadd.s32 v20, v10;
	v10 =	vand.u32 $0x1FFFF80, v12;
	v8 =	vand.u32 $0x7F, v12;
	v24 =	vld [tilespmem:s20+$0xB460]  }
0x67: {  	v20 =	vshll.u32 v9, $0x7;
	v9 =	vadd.s32 v10, v11;
	v10 =	vand.u32 $0x1FFFF80, v13  }
0x68: {  	v9 =	vshll.u32 v9, $0x7;
	v10 =	vadd.s32 v10, v15;
	v11 =	vand.u32 $0x1FFFF80, v18  }
0x69: {  	v10 =	vshll.u32 v10, $0x7;
	v11 =	vadd.s32 v11, v14;
	v14 =	vand.u32 $0x1FFFF80, v19  }
.Ltmp2:
0x6a: {  	v12 =	vshll.u32 v11, $0x7;
	v11 =	vadd.s32 v14, v17;
	v14 =	vand.u32 $0x1FFFF80, v22;
	(pc) =	sbr.rel @p0 .LBB2_6-.Ltmp2, $4  }
0x6b: {  	v11 =	vshll.u32 v11, $0x7;
	v14 =	vadd.s32 v14, v16;
	v15 =	vand.u32 $0x1FFFF80, v24  }
0x6c: {  	v16 =	vand.u32 $0x7F, v13;
	v13 =	vshll.u32 v14, $0x7;
	v14 =	vadd.s32 v15, v23  }
0x6d: {  	v17 =	vand.u32 $0x7F, v18;
	v15 =	vand.u32 $0x7F, v19;
	v14 =	vshll.u32 v14, $0x7  }
0x6e: {  	s21 =	sshra.s32 s22, $0x2;
	s22 =	sadd.s32 $0x200, s22;
	v20 =	vor.u32 v21, v20;
	v18 =	vand.u32 $0x7F, v22;
	v19 =	vand.u32 $0x7F, v24  }
0x6f: {  	v21 =	vld [tilespmem:s21+$0x9070]  }
0x70: {  	v22 =	vld [tilespmem:s21+$0xB470]  }
0x71: {  	v23 =	vld [tilespmem:s21+$0x9000];
	v20 =	vnsel vm0, $0xFFFFFFFF, v20;
	v8 =	vor.u32 v8, v9  }
0x72: {  	v24 =	vld [tilespmem:s21+$0x9010];
	v10 =	vor.u32 v16, v10;
	vm15 =	vgt.s32 v3, $0x3FF;
	v30 =	vor.u32 v17, v12  }
0x73: {  	v25 =	vld [tilespmem:s21+$0x9020];
	vm4 =	vgt.s32 v4, $0x3FF;
	v32 =	vor.u32 v15, v11;
	[tilespmem:s20+$0xD800] =	vst v20;
	v8 =	vnsel vm1, $0xFFFFFFFF, v8  }
0x74: {  	vm5 =	vgt.s32 v5, $0x3FF;
	v33 =	vor.u32 v19, v14;
	v3 =	vnsel vm15, $0xFFFFFFFF, v10;
	v29 =	vld [tilespmem:s21+$0x9030];
	[tilespmem:s20+$0xD810] =	vst v8  }
0x75: {  	vm6 =	vgt.s32 v6, $0x3FF;
	vm7 =	vgt.s32 v7, $0x3FF;
	v8 =	vld [tilespmem:s21+$0x9040];
	[tilespmem:s20+$0xD820] =	vst v3;
	v3 =	vnsel vm4, $0xFFFFFFFF, v30  }
0x76: {  	v10 =	vnsel vm5, $0xFFFFFFFF, v32;
	v5 =	vnsel vm7, $0xFFFFFFFF, v33;
	v31 =	vld [tilespmem:s21+$0x9050];
	[tilespmem:s20+$0xD830] =	vst v3;
	v3 =	vor.u32 v18, v13  }
0x77: {  	v35 =	vand.u32 $0x7F, v21;
	v3 =	vnsel vm6, $0xFFFFFFFF, v3;
	v36 =	vand.u32 $0x1FFFF80, v22  }
0x78: {  	v34 =	vld [tilespmem:s21+$0x9060];
	[tilespmem:s20+$0xD840] =	vst v10;
	v37 =	vand.u32 $0x7F, v23;
	vm8 =	vgt.s32 v23, $0x3FF;
	v38 =	vand.u32 $0x7F, v22  }
0x79: {  	v40 =	vand.u32 $0x7F, v24;
	vm9 =	vgt.s32 v21, $0x3FF;
	v41 =	vand.u32 $0x7F, v25;
	v10 =	vld [tilespmem:s21+$0xB400];
	[tilespmem:s20+$0xD850] =	vst v3  }
0x7a: {  	vm10 =	vgt.s32 v24, $0x3FF;
	vm11 =	vgt.s32 v25, $0x3FF;
	v6 =	vor.u32 v0, v35;
	v39 =	vld [tilespmem:s21+$0xB410];
	[tilespmem:s20+$0xD860] =	vst v5  }
0x7b: {  	v42 =	vor.u32 v0, v37;
	v13 =	vor.u32 v0, v40;
	v6 =	vadd.s32 v36, v6;
	v43 =	vld [tilespmem:s21+$0xB420]  }
0x7c: {  	v44 =	vand.u32 $0x7F, v29;
	v5 =	vor.u32 v0, v41;
	vm12 =	vgt.s32 v29, $0x3FF;
	v45 =	vld [tilespmem:s21+$0xB430]  }
0x7d: {  	v3 =	vshll.u32 v6, $0x7;
	v14 =	vor.u32 v0, v44;
	v47 =	vld [tilespmem:s21+$0xB440];
	vm13 =	vgt.s32 v8, $0x3FF  }
0x7e: {  	v20 =	vld [tilespmem:s21+$0xB450];
	v3 =	vor.u32 v38, v3;
	v46 =	vand.u32 $0x7F, v31;
	vm14 =	vgt.s32 v31, $0x3FF  }
0x7f: {  	v51 =	vld [tilespmem:s21+$0xB460];
	v3 =	vnsel vm9, $0xFFFFFFFF, v3;
	v16 =	vor.u32 v0, v46;
	v48 =	vand.u32 $0x7F, v34  }
0x80: {  	[tilespmem:s21+$0xD870] =	vst v3;
	v3 =	vand.u32 $0x7F, v8;
	v49 =	vand.u32 $0x1FFFF80, v10;
	v10 =	vand.u32 $0x7F, v10  }
0x81: {  	v18 =	vor.u32 v0, v48;
	v3 =	vor.u32 v0, v3;
	v50 =	vand.u32 $0x1FFFF80, v39  }
0x82: {  	v6 =	vadd.s32 v49, v42;
	v7 =	vand.u32 $0x7F, v39;
	v13 =	vadd.s32 v50, v13  }
0x83: {  	v52 =	vand.u32 $0x1FFFF80, v43;
	v6 =	vshll.u32 v6, $0x7;
	v53 =	vand.u32 $0x1FFFF80, v45  }
0x84: {  	v54 =	vand.u32 $0x1FFFF80, v47;
	v55 =	vand.u32 $0x1FFFF80, v20;
	v56 =	vand.u32 $0x1FFFF80, v51  }
0x85: {  	v12 =	vand.u32 $0x7F, v43;
	v15 =	vand.u32 $0x7F, v45;
	v17 =	vand.u32 $0x7F, v47  }
0x86: {  	v57 =	vand.u32 $0x7F, v20;
	v58 =	vand.u32 $0x7F, v51;
	v5 =	vadd.s32 v52, v5  }
0x87: {  	v13 =	vshll.u32 v13, $0x7;
	v14 =	vadd.s32 v53, v14;
	v3 =	vadd.s32 v54, v3  }
0x88: {  	v16 =	vadd.s32 v55, v16;
	v18 =	vadd.s32 v56, v18;
	v6 =	vor.u32 v10, v6  }
0x89: {  	v5 =	vshll.u32 v5, $0x7;
	v7 =	vor.u32 v7, v13;
	v6 =	vnsel vm8, $0xFFFFFFFF, v6  }
0x8a: {  	v14 =	vshll.u32 v14, $0x7;
	v5 =	vor.u32 v12, v5;
	[tilespmem:s21+$0xD800] =	vst v6;
	v59 =	vnsel vm10, $0xFFFFFFFF, v7  }
0x8b: {  	v3 =	vshll.u32 v3, $0x7;
	v60 =	vor.u32 v15, v14;
	v5 =	vnsel vm11, $0xFFFFFFFF, v5;
	[tilespmem:s21+$0xD810] =	vst v59  }
0x8c: {  	v16 =	vshll.u32 v16, $0x7;
	v3 =	vor.u32 v17, v3;
	v61 =	vnsel vm12, $0xFFFFFFFF, v60;
	[tilespmem:s21+$0xD820] =	vst v5  }
0x8d: {  	v18 =	vshll.u32 v18, $0x7;
	v62 =	vor.u32 v57, v16;
	v3 =	vnsel vm13, $0xFFFFFFFF, v3;
	[tilespmem:s21+$0xD830] =	vst v61  }
0x8e: {  	vm15 =	vgt.s32 v34, $0x3FF;
	v63 =	vor.u32 v58, v18;
	v5 =	vnsel vm14, $0xFFFFFFFF, v62;
	[tilespmem:s21+$0xD840] =	vst v3  }
0x8f: {  	v3 =	vnsel vm15, $0xFFFFFFFF, v63;
	[tilespmem:s21+$0xD850] =	vst v5  }
0x90: {  	[tilespmem:s21+$0xD860] =	vst v3  }
0x91: {  	_ =	swait.ge [sflag:s15], $0x9000  }
0x92: {  	[sflag:s15] =	ssyncset.done $0x0  }
0x93: {  	[sflag:s15] =	ssyncadd.s32 $0xFFFF7000  }
0x94: {  	[bflag:$0x0] =	sbarrier.arrive $0xFFFF  }
0x95: {  	(ifvalue) =	ssetifvalue $0xFFFFFFFF  }
0x96: {  	(ifvalue) =	ssetifvalue $0xFFFFFFFF  }
0x97: {  	[spmem:s2] =	stream.indirect.scatter [tilespmem:s18], [sflag:$0x3], $0x1, s17, s16, $0x40b8;
	[tilespmem:$0x1B000] =	vst v63  }
0x98: {  	_ =	swait.ge [sflag:s19], $0x2400  }
0x99: {  	s30 =	sshll.u32 s1, $0x6;
	s3 =	sadd.s32 $0x1, s3;
	[sflag:s19] =	ssyncset.done $0x0  }
0x9a: {  	s31 =	sshrl.u32 s6, $0x3;
	p0 =	sne.s32 s3, s9;
	[sflag:s19] =	ssyncadd.s32 $0xFFFFDC00  }
.Ltmp3:
0x9b: {  	s20 =	sor.u32 $0x1C03, s30;
	[bflag:$0x0] =	sbarrier.arrive $0xFFFF;
	(pc) =	sbr.rel @p0 .LBB2_1-.Ltmp3, $4  }
0x9c: {  	[hbm:s8], [sflag:s20] =	dma.local [spmem:s31], $0x1200  }
0x9d: {  	_ =	swait.ge [sflag:s19], $0x1200  }
0x9e: {  	[sflag:s19] =	ssyncset.done $0x0  }
0x9f: {  	[sflag:s19] =	ssyncadd.s32 $0xFFFFEE00  }
0xa0: {  	_ =	sfence.sel $0x180000  }
0xa1: {  	[bflag:$0x0] =	sbarrier.arrive $0xFFFF  }
0xa2: {  	p0 =	sne.s32 s1, $0x0;
	_ =	strace $0x90000047  }
0xa3: {  	s0 =	sadd.s32 @!p0 $0x100000, s0;
	[bflag:$0x2] =	sbarrier.arrive $0xFFFF  }
0xa4: {  	[sflag:s0] =	ssyncadd.tile.s32 @!p0 $0x1;
	_ =	shalt  }
.Lfunc_end2:
_tile_overlayer_lowered:
.L_overlay_start_2:
0xa5: {  	(tag) =	ssettag $0x2  }
0xa6: {  	s0 =	rddreg [dreg:$0x0];
	s2 =	stileid.u32  }
0xa7: {  	s1 =	rddreg [dreg:$0x1];
	p0 =	sne.s32 s2, $0x0  }
0xa8: {  	s3 =	rddreg [dreg:$0x2];
	[bflag:$0x3] =	sbarrier.arrive $0xFFFF;
	s2 =	simm.s32 @!p0 $0x1C03  }
0xa9: {  	[timem:s3], [sflag:s2] =	dma.local @!p0 [hbm:s0], s1  }
0xaa: {  	s0 =	simm.s32 @!p0 $0x3  }
0xab: {  	_ =	swait.ge @!p0 [sflag:s0], s1  }
0xac: {  	s1 =	ssub.s32 @!p0 $0x0, s1;
	[sflag:s0] =	ssyncset.done @!p0 $0x0  }
0xad: {  	[sflag:s0] =	ssyncadd.s32 @!p0 s1  }
0xae: {  	[bflag:$0x3] =	sbarrier.arrive $0xFFFF  }
0xaf: {  	_ =	shalt  }

</sc_bundles>
